<compile_context>
chip_gen: v7x
topology: tpu7x:2x2x1
jax: 0.10.2.dev20260603
libtpu: 0.0.44.dev20260713+nightly
codegen_flags: <defaults>
</compile_context>

<pallas_src>
import functools

import jax
import jax.numpy as jnp
from jax import lax
from jax.experimental import pallas as pl
from jax.experimental.pallas import tpu as pltpu
from jax.experimental.pallas import tpu_sc as plsc

N = 10000
D = 128
E = 320000
NC, NS = 2, 16
NW = NC * NS
CH = 80
E_PAD = NW * CH * 128
N_PAD = 10240
RPT = N_PAD // NS
DEGW = 16

_HIGH = lax.Precision.HIGHEST



def _topk_gru_body(x_ref, p_ref, wih_ref, whh_ref, bih_ref, bhh_ref,
                   w0_ref, wnew_ref, xt_ref):
    lin = (lax.broadcasted_iota(jnp.int32, (CH, 128), 0) * 128
           + lax.broadcasted_iota(jnp.int32, (CH, 128), 1))
    pv = p_ref[...]
    inv = 1.0 / jnp.sqrt(jnp.sum(pv * pv))
    pb = pv.astype(jnp.bfloat16).astype(jnp.float32)
    x3 = x_ref[...].reshape(CH, 128, D).astype(jnp.bfloat16).astype(jnp.float32)
    s0 = jnp.sum(x3 * pb[None, :, :], axis=2) * inv
    s0 = jnp.where(lin < N, s0, -jnp.inf)

    def step(t, s):
        m = jnp.max(s)
        idx = jnp.min(jnp.where(s == m, lin, jnp.int32(2 ** 30)))
        row = x_ref[pl.ds(idx, 1), :]
        xt_ref[pl.ds(t, 1), :] = row * jnp.tanh(m)
        return jnp.where(lin == idx, -jnp.inf, s)

    lax.fori_loop(0, D, step, s0)

    xt = xt_ref[...].astype(jnp.bfloat16)
    gi = jnp.dot(xt, wih_ref[...].astype(jnp.bfloat16),
                 preferred_element_type=jnp.float32) + bih_ref[...]
    gh = jnp.dot(w0_ref[...].astype(jnp.bfloat16),
                 whh_ref[...].astype(jnp.bfloat16),
                 preferred_element_type=jnp.float32) + bhh_ref[...]
    r = jax.nn.sigmoid(gi[:, :D] + gh[:, :D])
    z = jax.nn.sigmoid(gi[:, D:2 * D] + gh[:, D:2 * D])
    n = jnp.tanh(gi[:, 2 * D:] + r * gh[:, 2 * D:])
    wnew_ref[...] = (1.0 - z) * n + z * w0_ref[...]


def _xw_body(x_ref, wnew_ref, degs_ref, xw_ref, y_ref, disb_ref):
    xw = lax.dot_general(x_ref[...].astype(jnp.bfloat16),
                         wnew_ref[...].astype(jnp.bfloat16),
                         (((1,), (1,)), ((), ())),
                         preferred_element_type=jnp.float32)
    degsum = degs_ref[0, :, 0:1] + degs_ref[1, :, 0:1]
    dis = 1.0 / jnp.sqrt(degsum + 1.0)
    disb = jnp.broadcast_to(dis, (128, D))
    xw_ref[...] = xw
    disb_ref[...] = disb
    y_ref[...] = xw * disb


def _final_body(pa_ref, xw_ref, disb_ref, bias_ref, out_ref):
    acc = pa_ref[0] + pa_ref[1]
    disb = disb_ref[...]
    out_ref[...] = disb * acc + disb * disb * xw_ref[...] + bias_ref[...]



EPW = E_PAD // NW
NCH = EPW // 16


@functools.lru_cache(maxsize=None)
def _sc_kernels():
    mesh = plsc.VectorSubcoreMesh(core_axis_name="c", subcore_axis_name="s",
                                  num_cores=NC, num_subcores=NS)

    @functools.partial(
        pl.kernel,
        out_type=jax.ShapeDtypeStruct((NC, N_PAD, D), jnp.float32),
        mesh=mesh,
        scratch_types=[
            pltpu.VMEM((EPW,), jnp.int32),
            pltpu.VMEM((16, D), jnp.float32),
            pltpu.VMEM((RPT // 10, D), jnp.float32),
            pltpu.VMEM_SHARED((N_PAD, D), jnp.float32),
        ],
    )
    def deg_kernel(cols_hbm, out_hbm, colv, ones_v, zv, acc):
        cid = lax.axis_index("c")
        sid = lax.axis_index("s")
        wid = sid * NC + cid
        pltpu.sync_copy(cols_hbm.at[wid], colv)

        def fill(i, _):
            for l in range(D // 16):
                ones_v[i, pl.ds(l * 16, 16)] = jnp.ones((16,), jnp.float32)
            return 0

        lax.fori_loop(0, 16, fill, 0)

        def fillz(i, _):
            for l in range(D // 16):
                zv[i, pl.ds(l * 16, 16)] = jnp.zeros((16,), jnp.float32)
            return 0

        lax.fori_loop(0, RPT // 10, fillz, 0)
        for t in range(10):
            pltpu.sync_copy(zv, acc.at[pl.ds(sid * RPT + t * (RPT // 10),
                                             RPT // 10)])
        plsc.subcore_barrier()

        def body(j, _):
            iv = colv[pl.ds(j * 16, 16)]
            pltpu.sync_copy(ones_v, acc.at[iv], add=True)
            return 0

        lax.fori_loop(0, NCH, body, 0)
        plsc.subcore_barrier()
        pltpu.sync_copy(acc.at[pl.ds(sid * RPT, RPT)],
                        out_hbm.at[cid, pl.ds(sid * RPT, RPT)])

    @functools.partial(
        pl.kernel,
        out_type=jax.ShapeDtypeStruct((NC, N_PAD, D), jnp.float32),
        mesh=mesh,
        scratch_types=[
            pltpu.VMEM((EPW,), jnp.int32),
            pltpu.VMEM((EPW,), jnp.int32),
            pltpu.VMEM((2, 16, D), jnp.float32),
            pltpu.VMEM((RPT // 10, D), jnp.float32),
            pltpu.VMEM_SHARED((N_PAD, D), jnp.float32),
            pltpu.SemaphoreType.DMA,
            pltpu.SemaphoreType.DMA,
        ],
    )
    def scatter_kernel(y_hbm, rows_hbm, cols_hbm, out_hbm,
                       rowv, colv, buf, zv, acc, sem0, sem1):
        cid = lax.axis_index("c")
        sid = lax.axis_index("s")
        wid = sid * NC + cid
        pltpu.sync_copy(rows_hbm.at[wid], rowv)
        pltpu.sync_copy(cols_hbm.at[wid], colv)

        def fillz(i, _):
            for l in range(D // 16):
                zv[i, pl.ds(l * 16, 16)] = jnp.zeros((16,), jnp.float32)
            return 0

        lax.fori_loop(0, RPT // 10, fillz, 0)
        for t in range(10):
            pltpu.sync_copy(zv, acc.at[pl.ds(sid * RPT + t * (RPT // 10),
                                             RPT // 10)])
        plsc.subcore_barrier()

        sems = (sem0, sem1)
        for b in range(2):
            iv = rowv[pl.ds(b * 16, 16)]
            pltpu.async_copy(y_hbm.at[iv], buf.at[b], sems[b])

        def body(g, _):
            for b in range(2):
                j = g * 2 + b
                iv_r = rowv[pl.ds(j * 16, 16)]
                pltpu.make_async_copy(y_hbm.at[iv_r], buf.at[b], sems[b]).wait()
                iv_c = colv[pl.ds(j * 16, 16)]
                pltpu.sync_copy(buf.at[b], acc.at[iv_c], add=True)
                iv_n = rowv[pl.ds((j + 2) * 16, 16)]
                pltpu.async_copy(y_hbm.at[iv_n], buf.at[b], sems[b])
            return 0

        lax.fori_loop(0, NCH // 2 - 1, body, 0)
        for b in range(2):
            j = NCH - 2 + b
            iv_r = rowv[pl.ds(j * 16, 16)]
            pltpu.make_async_copy(y_hbm.at[iv_r], buf.at[b], sems[b]).wait()
            iv_c = colv[pl.ds(j * 16, 16)]
            pltpu.sync_copy(buf.at[b], acc.at[iv_c], add=True)
        plsc.subcore_barrier()
        pltpu.sync_copy(acc.at[pl.ds(sid * RPT, RPT)],
                        out_hbm.at[cid, pl.ds(sid * RPT, RPT)])

    return deg_kernel, scatter_kernel



def kernel(x, edge_index, p, w_ih, w_hh, b_ih, b_hh, W0, bias):
    x = x.astype(jnp.float32)
    row = edge_index[0].astype(jnp.int32)
    col = edge_index[1].astype(jnp.int32)
    pad = E_PAD - E
    rows3 = jnp.concatenate([row, jnp.zeros((pad,), jnp.int32)]).reshape(NW, EPW)
    cols3 = jnp.concatenate([col, jnp.full((pad,), N, jnp.int32)]).reshape(NW, EPW)
    x_pad = jnp.concatenate([x, jnp.zeros((N_PAD - N, D), jnp.float32)])

    p2 = p.reshape(1, D).astype(jnp.float32)
    bias2 = bias.reshape(1, D).astype(jnp.float32)
    wih_t = w_ih.T.astype(jnp.float32)
    whh_t = w_hh.T.astype(jnp.float32)
    bih2 = b_ih.reshape(1, 3 * D).astype(jnp.float32)
    bhh2 = b_hh.reshape(1, 3 * D).astype(jnp.float32)

    f32 = jnp.float32

    W_new = pl.pallas_call(
        _topk_gru_body,
        out_shape=jax.ShapeDtypeStruct((D, D), f32),
        scratch_shapes=[pltpu.VMEM((D, D), f32)],
    )(x_pad, p2, wih_t, whh_t, bih2, bhh2, W0)

    deg_k, scatter_k = _sc_kernels()
    degs = deg_k(cols3)

    xw, y, disb = pl.pallas_call(
        _xw_body,
        grid=(N_PAD // 128,),
        in_specs=[pl.BlockSpec((128, D), lambda i: (i, 0)),
                  pl.BlockSpec((D, D), lambda i: (0, 0)),
                  pl.BlockSpec((NC, 128, D), lambda i: (0, i, 0))],
        out_specs=[pl.BlockSpec((128, D), lambda i: (i, 0))] * 3,
        out_shape=[jax.ShapeDtypeStruct((N_PAD, D), f32)] * 3,
    )(x_pad, W_new, degs)

    partials = scatter_k(y, rows3, cols3)

    out_full = pl.pallas_call(
        _final_body,
        grid=(N_PAD // 128,),
        in_specs=[pl.BlockSpec((NC, 128, D), lambda i: (0, i, 0)),
                  pl.BlockSpec((128, D), lambda i: (i, 0)),
                  pl.BlockSpec((128, D), lambda i: (i, 0)),
                  pl.BlockSpec((1, D), lambda i: (0, 0))],
        out_specs=pl.BlockSpec((128, D), lambda i: (i, 0)),
        out_shape=jax.ShapeDtypeStruct((N_PAD, D), f32),
    )(partials, xw, disb, bias2)

    return out_full[:N]

# --- scband reference (transcript-rebuilt; emitter-appended) ---
"""Pipeline reference for scband-evolve-gcnh-61924838473855 (READ-ONLY COPY).

The authoritative reference and input builder live on the scoring server;
editing this copy changes nothing except your own understanding.
"""

import jax, jax.numpy as jnp
import numpy as np

N_NODES = 10000
D = 128
N_EDGES = 320000


def setup_inputs(seed: int = 0) -> dict:
    key = jax.random.key(seed)
    ks = jax.random.split(key, 9)
    std = 1.0 / np.sqrt(D)
    x = jax.random.normal(ks[0], (N_NODES, D), dtype=jnp.float32)
    edge_index = jax.random.randint(ks[1], (2, N_EDGES), 0, N_NODES)
    p = jax.random.uniform(ks[2], (D,), minval=-std, maxval=std, dtype=jnp.float32)
    w_ih = jax.random.uniform(ks[3], (3 * D, D), minval=-std, maxval=std, dtype=jnp.float32)
    w_hh = jax.random.uniform(ks[4], (3 * D, D), minval=-std, maxval=std, dtype=jnp.float32)
    b_ih = jax.random.uniform(ks[5], (3 * D,), minval=-std, maxval=std, dtype=jnp.float32)
    b_hh = jax.random.uniform(ks[6], (3 * D,), minval=-std, maxval=std, dtype=jnp.float32)
    W0 = jax.random.uniform(ks[7], (D, D), minval=-std, maxval=std, dtype=jnp.float32)
    bias = jnp.zeros((D,), dtype=jnp.float32)
    return {"x": x, "edge_index": edge_index, "p": p, "w_ih": w_ih, "w_hh": w_hh, "b_ih": b_ih, "b_hh": b_hh, "W0": W0, "bias": bias}


def _gru_cell(xt, h, w_ih, w_hh, b_ih, b_hh):
    gi = xt @ w_ih.T + b_ih
    gh = h @ w_hh.T + b_hh
    i_r, i_z, i_n = jnp.split(gi, 3, axis=-1)
    h_r, h_z, h_n = jnp.split(gh, 3, axis=-1)
    r = jax.nn.sigmoid(i_r + h_r)
    z = jax.nn.sigmoid(i_z + h_z)
    n = jnp.tanh(i_n + r * h_n)
    return (1.0 - z) * n + z * h


def reference(x, edge_index, p, w_ih, w_hh, b_ih, b_hh, W0, bias):
    N, d = x.shape
    # ---- TopKPooling (ratio = in_channels / num_nodes -> k = in_channels) ----
    score = (x @ p) / jnp.linalg.norm(p)
    k = d
    topv, perm = jax.lax.top_k(score, k)
    x_tilde = x[perm] * jnp.tanh(topv)[:, None]
    x_tilde = jax.lax.stop_gradient(x_tilde)  # .detach() in torch
    # ---- GRU weight evolution: batch=k, hidden=W (conv weight), seq_len=1 ----
    h0 = jax.lax.stop_gradient(W0)  # .detach() in torch
    W_new = _gru_cell(x_tilde, h0, w_ih, w_hh, b_ih, b_hh)
    W_new = jax.lax.stop_gradient(W_new)  # assigned via .data in torch (no grad path)
    # ---- GCNConv with self-loops + symmetric normalization ----
    loops = jnp.arange(N)
    row = jnp.concatenate([edge_index[0], loops])
    col = jnp.concatenate([edge_index[1], loops])
    ew = jnp.ones(row.shape[0], dtype=x.dtype)
    deg = jax.ops.segment_sum(ew, col, num_segments=N)
    dis = jnp.where(deg > 0, 1.0 / jnp.sqrt(deg), 0.0)
    norm = dis[row] * dis[col]
    xw = x @ W_new.T
    out = jax.ops.segment_sum(xw[row] * norm[:, None], col, num_segments=N)
    return out + bias

if __name__ == "__main__":
    import jax
    _d = setup_inputs()
    print(jax.jit(kernel)(*tuple(_d.values())))

</pallas_src>

<mosaic_0001>
#map = affine_map<(d0, d1) -> (0, 0)>
#map1 = affine_map<(d0, d1) -> (0, 0, 0)>
module attributes {stable_mosaic.version = 14 : i64} {
  func.func @scatter_kernel(%arg0: i32, %arg1: i32, %arg2: memref<10240x128xf32, #tpu.memory_space<hbm>>, %arg3: memref<32x10240xi32, #tpu.memory_space<hbm>>, %arg4: memref<32x10240xi32, #tpu.memory_space<hbm>>, %arg5: memref<2x10240x128xf32, #tpu.memory_space<hbm>>, %arg6: memref<10240xi32, #tpu.memory_space<vmem>>, %arg7: memref<10240xi32, #tpu.memory_space<vmem>>, %arg8: memref<2x16x128xf32, #tpu.memory_space<vmem>>, %arg9: memref<64x128xf32, #tpu.memory_space<vmem>>, %arg10: memref<10240x128xf32, #tpu.memory_space<vmem_shared>>, %arg11: memref<!tpu.dma_semaphore, #tpu.memory_space<semaphore_mem>>, %arg12: memref<!tpu.dma_semaphore, #tpu.memory_space<semaphore_mem>>) attributes {dimension_semantics = [#tpu.dimension_semantics<core_parallel>, #tpu.dimension_semantics<subcore_parallel>], iteration_bounds = array<i64: 2, 16>, scalar_prefetch = 0 : i64, scratch_operands = 7 : i64, tpu.core_type = #tpu.core_type<sc_vector_subcore>, window_params = [{transform_indices = #map}, {transform_indices = #map}, {transform_indices = #map}, {transform_indices = #map1}]} {
    %mul3A = arith.constant 2 : i32
    %mul3A_0 = arith.muli %arg1, %mul3A : i32
    %add3A = arith.addi %mul3A_0, %arg0 : i32
    "tpu.region"() ({
      %run_scoped3A_107 = tpu.sem_alloc : memref<!tpu.dma_semaphore, #tpu.memory_space<semaphore_mem>>
      %dma_start3A_108 = arith.constant 0 : i32
      %dma_start3A_109 = tpu.memref_slice %arg3[%add3A, %dma_start3A_108] : memref<32x10240xi32, #tpu.memory_space<hbm>> -> memref<1x10240xi32, #tpu.memory_space<hbm>>
      %dma_start3A_110 = tpu.memref_squeeze %dma_start3A_109 : memref<1x10240xi32, #tpu.memory_space<hbm>> -> memref<10240xi32, #tpu.memory_space<hbm>>
      %dma_start3A_111 = arith.constant 0 : i32
      %dma_start3A_112 = tpu.memref_slice %arg3[%add3A, %dma_start3A_111] : memref<32x10240xi32, #tpu.memory_space<hbm>> -> memref<1x10240xi32, #tpu.memory_space<hbm>>
      %dma_start3A_113 = tpu.memref_squeeze %dma_start3A_112 : memref<1x10240xi32, #tpu.memory_space<hbm>> -> memref<10240xi32, #tpu.memory_space<hbm>>
      tpu.enqueue_dma source(%dma_start3A_113 : memref<10240xi32, #tpu.memory_space<hbm>>) target(%arg6 : memref<10240xi32, #tpu.memory_space<vmem>>) target_semaphore(%run_scoped3A_107 : memref<!tpu.dma_semaphore, #tpu.memory_space<semaphore_mem>>)
      %dma_wait3A_114 = arith.constant 0 : i32
      %dma_wait3A_115 = tpu.memref_slice %arg3[%add3A, %dma_wait3A_114] : memref<32x10240xi32, #tpu.memory_space<hbm>> -> memref<1x10240xi32, #tpu.memory_space<hbm>>
      %dma_wait3A_116 = tpu.memref_squeeze %dma_wait3A_115 : memref<1x10240xi32, #tpu.memory_space<hbm>> -> memref<10240xi32, #tpu.memory_space<hbm>>
      %dma_wait3A_117 = arith.constant 0 : i32
      %dma_wait3A_118 = tpu.memref_slice %arg3[%add3A, %dma_wait3A_117] : memref<32x10240xi32, #tpu.memory_space<hbm>> -> memref<1x10240xi32, #tpu.memory_space<hbm>>
      %dma_wait3A_119 = tpu.memref_squeeze %dma_wait3A_118 : memref<1x10240xi32, #tpu.memory_space<hbm>> -> memref<10240xi32, #tpu.memory_space<hbm>>
      tpu.wait_dma2 semaphore(%run_scoped3A_107 : memref<!tpu.dma_semaphore, #tpu.memory_space<semaphore_mem>>) src(%dma_wait3A_119 : memref<10240xi32, #tpu.memory_space<hbm>>) dst(%arg6 : memref<10240xi32, #tpu.memory_space<vmem>>)
      tpu.yield
    }) : () -> ()
    "tpu.region"() ({
      %run_scoped3A_107 = tpu.sem_alloc : memref<!tpu.dma_semaphore, #tpu.memory_space<semaphore_mem>>
      %dma_start3A_108 = arith.constant 0 : i32
      %dma_start3A_109 = tpu.memref_slice %arg4[%add3A, %dma_start3A_108] : memref<32x10240xi32, #tpu.memory_space<hbm>> -> memref<1x10240xi32, #tpu.memory_space<hbm>>
      %dma_start3A_110 = tpu.memref_squeeze %dma_start3A_109 : memref<1x10240xi32, #tpu.memory_space<hbm>> -> memref<10240xi32, #tpu.memory_space<hbm>>
      %dma_start3A_111 = arith.constant 0 : i32
      %dma_start3A_112 = tpu.memref_slice %arg4[%add3A, %dma_start3A_111] : memref<32x10240xi32, #tpu.memory_space<hbm>> -> memref<1x10240xi32, #tpu.memory_space<hbm>>
      %dma_start3A_113 = tpu.memref_squeeze %dma_start3A_112 : memref<1x10240xi32, #tpu.memory_space<hbm>> -> memref<10240xi32, #tpu.memory_space<hbm>>
      tpu.enqueue_dma source(%dma_start3A_113 : memref<10240xi32, #tpu.memory_space<hbm>>) target(%arg7 : memref<10240xi32, #tpu.memory_space<vmem>>) target_semaphore(%run_scoped3A_107 : memref<!tpu.dma_semaphore, #tpu.memory_space<semaphore_mem>>)
      %dma_wait3A_114 = arith.constant 0 : i32
      %dma_wait3A_115 = tpu.memref_slice %arg4[%add3A, %dma_wait3A_114] : memref<32x10240xi32, #tpu.memory_space<hbm>> -> memref<1x10240xi32, #tpu.memory_space<hbm>>
      %dma_wait3A_116 = tpu.memref_squeeze %dma_wait3A_115 : memref<1x10240xi32, #tpu.memory_space<hbm>> -> memref<10240xi32, #tpu.memory_space<hbm>>
      %dma_wait3A_117 = arith.constant 0 : i32
      %dma_wait3A_118 = tpu.memref_slice %arg4[%add3A, %dma_wait3A_117] : memref<32x10240xi32, #tpu.memory_space<hbm>> -> memref<1x10240xi32, #tpu.memory_space<hbm>>
      %dma_wait3A_119 = tpu.memref_squeeze %dma_wait3A_118 : memref<1x10240xi32, #tpu.memory_space<hbm>> -> memref<10240xi32, #tpu.memory_space<hbm>>
      tpu.wait_dma2 semaphore(%run_scoped3A_107 : memref<!tpu.dma_semaphore, #tpu.memory_space<semaphore_mem>>) src(%dma_wait3A_119 : memref<10240xi32, #tpu.memory_space<hbm>>) dst(%arg7 : memref<10240xi32, #tpu.memory_space<vmem>>)
      tpu.yield
    }) : () -> ()
    %scan3A = arith.constant 0 : i32
    %scan3A_1 = arith.constant 0 : i32
    %scan3A_2 = arith.constant 64 : i32
    %scan3A_3 = arith.addi %scan3A_1, %scan3A_2 : i32
    %scan3A_4 = arith.constant 1 : i32
    %scan3A_5 = scf.for %scan3A_107 = %scan3A_1 to %scan3A_3 step %scan3A_4 iter_args(%scan3A_108 = %scan3A) -> (i32)  : i32 {
      %broadcast_in_dim3A = arith.constant 0.000000e+00 : f32
      %broadcast_in_dim3A_109 = vector.broadcast %broadcast_in_dim3A : f32 to vector<16xf32>
      %swap3A = arith.index_cast %scan3A_107 : i32 to index
      %swap3A_110 = arith.constant 0 : index
      %swap3A_111 = tpu.vector_load %arg9[%swap3A, %swap3A_110] {strides = array<i32>} : memref<64x128xf32, #tpu.memory_space<vmem>>, vector<1x16xf32>,
      %swap3A_112 = vector.shape_cast %swap3A_111 : vector<1x16xf32> to vector<16xf32>
      %swap3A_113 = vector.shape_cast %broadcast_in_dim3A_109 : vector<16xf32> to vector<1x16xf32>
      tpu.vector_store %arg9[%swap3A, %swap3A_110], %swap3A_113 {strides = array<i32>} : memref<64x128xf32, #tpu.memory_space<vmem>>, vector<1x16xf32>,
      %broadcast_in_dim3A_114 = arith.constant 0.000000e+00 : f32
      %broadcast_in_dim3A_115 = vector.broadcast %broadcast_in_dim3A_114 : f32 to vector<16xf32>
      %swap3A_116 = arith.index_cast %scan3A_107 : i32 to index
      %swap3A_117 = arith.constant 16 : index
      %swap3A_118 = tpu.vector_load %arg9[%swap3A_116, %swap3A_117] {strides = array<i32>} : memref<64x128xf32, #tpu.memory_space<vmem>>, vector<1x16xf32>,
      %swap3A_119 = vector.shape_cast %swap3A_118 : vector<1x16xf32> to vector<16xf32>
      %swap3A_120 = vector.shape_cast %broadcast_in_dim3A_115 : vector<16xf32> to vector<1x16xf32>
      tpu.vector_store %arg9[%swap3A_116, %swap3A_117], %swap3A_120 {strides = array<i32>} : memref<64x128xf32, #tpu.memory_space<vmem>>, vector<1x16xf32>,
      %broadcast_in_dim3A_121 = arith.constant 0.000000e+00 : f32
      %broadcast_in_dim3A_122 = vector.broadcast %broadcast_in_dim3A_121 : f32 to vector<16xf32>
      %swap3A_123 = arith.index_cast %scan3A_107 : i32 to index
      %swap3A_124 = arith.constant 32 : index
      %swap3A_125 = tpu.vector_load %arg9[%swap3A_123, %swap3A_124] {strides = array<i32>} : memref<64x128xf32, #tpu.memory_space<vmem>>, vector<1x16xf32>,
      %swap3A_126 = vector.shape_cast %swap3A_125 : vector<1x16xf32> to vector<16xf32>
      %swap3A_127 = vector.shape_cast %broadcast_in_dim3A_122 : vector<16xf32> to vector<1x16xf32>
      tpu.vector_store %arg9[%swap3A_123, %swap3A_124], %swap3A_127 {strides = array<i32>} : memref<64x128xf32, #tpu.memory_space<vmem>>, vector<1x16xf32>,
      %broadcast_in_dim3A_128 = arith.constant 0.000000e+00 : f32
      %broadcast_in_dim3A_129 = vector.broadcast %broadcast_in_dim3A_128 : f32 to vector<16xf32>
      %swap3A_130 = arith.index_cast %scan3A_107 : i32 to index
      %swap3A_131 = arith.constant 48 : index
      %swap3A_132 = tpu.vector_load %arg9[%swap3A_130, %swap3A_131] {strides = array<i32>} : memref<64x128xf32, #tpu.memory_space<vmem>>, vector<1x16xf32>,
      %swap3A_133 = vector.shape_cast %swap3A_132 : vector<1x16xf32> to vector<16xf32>
      %swap3A_134 = vector.shape_cast %broadcast_in_dim3A_129 : vector<16xf32> to vector<1x16xf32>
      tpu.vector_store %arg9[%swap3A_130, %swap3A_131], %swap3A_134 {strides = array<i32>} : memref<64x128xf32, #tpu.memory_space<vmem>>, vector<1x16xf32>,
      %broadcast_in_dim3A_135 = arith.constant 0.000000e+00 : f32
      %broadcast_in_dim3A_136 = vector.broadcast %broadcast_in_dim3A_135 : f32 to vector<16xf32>
      %swap3A_137 = arith.index_cast %scan3A_107 : i32 to index
      %swap3A_138 = arith.constant 64 : index
      %swap3A_139 = tpu.vector_load %arg9[%swap3A_137, %swap3A_138] {strides = array<i32>} : memref<64x128xf32, #tpu.memory_space<vmem>>, vector<1x16xf32>,
      %swap3A_140 = vector.shape_cast %swap3A_139 : vector<1x16xf32> to vector<16xf32>
      %swap3A_141 = vector.shape_cast %broadcast_in_dim3A_136 : vector<16xf32> to vector<1x16xf32>
      tpu.vector_store %arg9[%swap3A_137, %swap3A_138], %swap3A_141 {strides = array<i32>} : memref<64x128xf32, #tpu.memory_space<vmem>>, vector<1x16xf32>,
      %broadcast_in_dim3A_142 = arith.constant 0.000000e+00 : f32
      %broadcast_in_dim3A_143 = vector.broadcast %broadcast_in_dim3A_142 : f32 to vector<16xf32>
      %swap3A_144 = arith.index_cast %scan3A_107 : i32 to index
      %swap3A_145 = arith.constant 80 : index
      %swap3A_146 = tpu.vector_load %arg9[%swap3A_144, %swap3A_145] {strides = array<i32>} : memref<64x128xf32, #tpu.memory_space<vmem>>, vector<1x16xf32>,
      %swap3A_147 = vector.shape_cast %swap3A_146 : vector<1x16xf32> to vector<16xf32>
      %swap3A_148 = vector.shape_cast %broadcast_in_dim3A_143 : vector<16xf32> to vector<1x16xf32>
      tpu.vector_store %arg9[%swap3A_144, %swap3A_145], %swap3A_148 {strides = array<i32>} : memref<64x128xf32, #tpu.memory_space<vmem>>, vector<1x16xf32>,
      %broadcast_in_dim3A_149 = arith.constant 0.000000e+00 : f32
      %broadcast_in_dim3A_150 = vector.broadcast %broadcast_in_dim3A_149 : f32 to vector<16xf32>
      %swap3A_151 = arith.index_cast %scan3A_107 : i32 to index
      %swap3A_152 = arith.constant 96 : index
      %swap3A_153 = tpu.vector_load %arg9[%swap3A_151, %swap3A_152] {strides = array<i32>} : memref<64x128xf32, #tpu.memory_space<vmem>>, vector<1x16xf32>,
      %swap3A_154 = vector.shape_cast %swap3A_153 : vector<1x16xf32> to vector<16xf32>
      %swap3A_155 = vector.shape_cast %broadcast_in_dim3A_150 : vector<16xf32> to vector<1x16xf32>
      tpu.vector_store %arg9[%swap3A_151, %swap3A_152], %swap3A_155 {strides = array<i32>} : memref<64x128xf32, #tpu.memory_space<vmem>>, vector<1x16xf32>,
      %broadcast_in_dim3A_156 = arith.constant 0.000000e+00 : f32
      %broadcast_in_dim3A_157 = vector.broadcast %broadcast_in_dim3A_156 : f32 to vector<16xf32>
      %swap3A_158 = arith.index_cast %scan3A_107 : i32 to index
      %swap3A_159 = arith.constant 112 : index
      %swap3A_160 = tpu.vector_load %arg9[%swap3A_158, %swap3A_159] {strides = array<i32>} : memref<64x128xf32, #tpu.memory_space<vmem>>, vector<1x16xf32>,
      %swap3A_161 = vector.shape_cast %swap3A_160 : vector<1x16xf32> to vector<16xf32>
      %swap3A_162 = vector.shape_cast %broadcast_in_dim3A_157 : vector<16xf32> to vector<1x16xf32>
      tpu.vector_store %arg9[%swap3A_158, %swap3A_159], %swap3A_162 {strides = array<i32>} : memref<64x128xf32, #tpu.memory_space<vmem>>, vector<1x16xf32>,
      %scan3A_163 = arith.constant 0 : i32
      scf.yield %scan3A_163 : i32
    }
    %scan3A_6 = arith.constant 64 : i32
    %mul3A_7 = arith.constant 640 : i32
    %mul3A_8 = arith.muli %arg1, %mul3A_7 : i32
    %add3A_9 = arith.constant 0 : i32
    %add3A_10 = arith.addi %mul3A_8, %add3A_9 : i32
    "tpu.region"() ({
      %run_scoped3A_107 = tpu.sem_alloc : memref<!tpu.dma_semaphore, #tpu.memory_space<semaphore_mem>>
      %dma_start3A_108 = arith.constant 0 : i32
      %dma_start3A_109 = tpu.memref_slice %arg10[%add3A_10, %dma_start3A_108] : memref<10240x128xf32, #tpu.memory_space<vmem_shared>> -> memref<64x128xf32, #tpu.memory_space<vmem_shared>>
      %dma_start3A_110 = arith.constant 0 : i32
      %dma_start3A_111 = tpu.memref_slice %arg10[%add3A_10, %dma_start3A_110] : memref<10240x128xf32, #tpu.memory_space<vmem_shared>> -> memref<64x128xf32, #tpu.memory_space<vmem_shared>>
      tpu.enqueue_dma source(%arg9 : memref<64x128xf32, #tpu.memory_space<vmem>>) target(%dma_start3A_111 : memref<64x128xf32, #tpu.memory_space<vmem_shared>>) target_semaphore(%run_scoped3A_107 : memref<!tpu.dma_semaphore, #tpu.memory_space<semaphore_mem>>)
      %dma_wait3A_112 = arith.constant 0 : i32
      %dma_wait3A_113 = tpu.memref_slice %arg10[%add3A_10, %dma_wait3A_112] : memref<10240x128xf32, #tpu.memory_space<vmem_shared>> -> memref<64x128xf32, #tpu.memory_space<vmem_shared>>
      %dma_wait3A_114 = arith.constant 0 : i32
      %dma_wait3A_115 = tpu.memref_slice %arg10[%add3A_10, %dma_wait3A_114] : memref<10240x128xf32, #tpu.memory_space<vmem_shared>> -> memref<64x128xf32, #tpu.memory_space<vmem_shared>>
      tpu.wait_dma2 semaphore(%run_scoped3A_107 : memref<!tpu.dma_semaphore, #tpu.memory_space<semaphore_mem>>) src(%arg9 : memref<64x128xf32, #tpu.memory_space<vmem>>) dst(%dma_wait3A_115 : memref<64x128xf32, #tpu.memory_space<vmem_shared>>)
      tpu.yield
    }) : () -> ()
    %mul3A_11 = arith.constant 640 : i32
    %mul3A_12 = arith.muli %arg1, %mul3A_11 : i32
    %add3A_13 = arith.constant 64 : i32
    %add3A_14 = arith.addi %mul3A_12, %add3A_13 : i32
    "tpu.region"() ({
      %run_scoped3A_107 = tpu.sem_alloc : memref<!tpu.dma_semaphore, #tpu.memory_space<semaphore_mem>>
      %dma_start3A_108 = arith.constant 0 : i32
      %dma_start3A_109 = tpu.memref_slice %arg10[%add3A_14, %dma_start3A_108] : memref<10240x128xf32, #tpu.memory_space<vmem_shared>> -> memref<64x128xf32, #tpu.memory_space<vmem_shared>>
      %dma_start3A_110 = arith.constant 0 : i32
      %dma_start3A_111 = tpu.memref_slice %arg10[%add3A_14, %dma_start3A_110] : memref<10240x128xf32, #tpu.memory_space<vmem_shared>> -> memref<64x128xf32, #tpu.memory_space<vmem_shared>>
      tpu.enqueue_dma source(%arg9 : memref<64x128xf32, #tpu.memory_space<vmem>>) target(%dma_start3A_111 : memref<64x128xf32, #tpu.memory_space<vmem_shared>>) target_semaphore(%run_scoped3A_107 : memref<!tpu.dma_semaphore, #tpu.memory_space<semaphore_mem>>)
      %dma_wait3A_112 = arith.constant 0 : i32
      %dma_wait3A_113 = tpu.memref_slice %arg10[%add3A_14, %dma_wait3A_112] : memref<10240x128xf32, #tpu.memory_space<vmem_shared>> -> memref<64x128xf32, #tpu.memory_space<vmem_shared>>
      %dma_wait3A_114 = arith.constant 0 : i32
      %dma_wait3A_115 = tpu.memref_slice %arg10[%add3A_14, %dma_wait3A_114] : memref<10240x128xf32, #tpu.memory_space<vmem_shared>> -> memref<64x128xf32, #tpu.memory_space<vmem_shared>>
      tpu.wait_dma2 semaphore(%run_scoped3A_107 : memref<!tpu.dma_semaphore, #tpu.memory_space<semaphore_mem>>) src(%arg9 : memref<64x128xf32, #tpu.memory_space<vmem>>) dst(%dma_wait3A_115 : memref<64x128xf32, #tpu.memory_space<vmem_shared>>)
      tpu.yield
    }) : () -> ()
    %mul3A_15 = arith.constant 640 : i32
    %mul3A_16 = arith.muli %arg1, %mul3A_15 : i32
    %add3A_17 = arith.constant 128 : i32
    %add3A_18 = arith.addi %mul3A_16, %add3A_17 : i32
    "tpu.region"() ({
      %run_scoped3A_107 = tpu.sem_alloc : memref<!tpu.dma_semaphore, #tpu.memory_space<semaphore_mem>>
      %dma_start3A_108 = arith.constant 0 : i32
      %dma_start3A_109 = tpu.memref_slice %arg10[%add3A_18, %dma_start3A_108] : memref<10240x128xf32, #tpu.memory_space<vmem_shared>> -> memref<64x128xf32, #tpu.memory_space<vmem_shared>>
      %dma_start3A_110 = arith.constant 0 : i32
      %dma_start3A_111 = tpu.memref_slice %arg10[%add3A_18, %dma_start3A_110] : memref<10240x128xf32, #tpu.memory_space<vmem_shared>> -> memref<64x128xf32, #tpu.memory_space<vmem_shared>>
      tpu.enqueue_dma source(%arg9 : memref<64x128xf32, #tpu.memory_space<vmem>>) target(%dma_start3A_111 : memref<64x128xf32, #tpu.memory_space<vmem_shared>>) target_semaphore(%run_scoped3A_107 : memref<!tpu.dma_semaphore, #tpu.memory_space<semaphore_mem>>)
      %dma_wait3A_112 = arith.constant 0 : i32
      %dma_wait3A_113 = tpu.memref_slice %arg10[%add3A_18, %dma_wait3A_112] : memref<10240x128xf32, #tpu.memory_space<vmem_shared>> -> memref<64x128xf32, #tpu.memory_space<vmem_shared>>
      %dma_wait3A_114 = arith.constant 0 : i32
      %dma_wait3A_115 = tpu.memref_slice %arg10[%add3A_18, %dma_wait3A_114] : memref<10240x128xf32, #tpu.memory_space<vmem_shared>> -> memref<64x128xf32, #tpu.memory_space<vmem_shared>>
      tpu.wait_dma2 semaphore(%run_scoped3A_107 : memref<!tpu.dma_semaphore, #tpu.memory_space<semaphore_mem>>) src(%arg9 : memref<64x128xf32, #tpu.memory_space<vmem>>) dst(%dma_wait3A_115 : memref<64x128xf32, #tpu.memory_space<vmem_shared>>)
      tpu.yield
    }) : () -> ()
    %mul3A_19 = arith.constant 640 : i32
    %mul3A_20 = arith.muli %arg1, %mul3A_19 : i32
    %add3A_21 = arith.constant 192 : i32
    %add3A_22 = arith.addi %mul3A_20, %add3A_21 : i32
    "tpu.region"() ({
      %run_scoped3A_107 = tpu.sem_alloc : memref<!tpu.dma_semaphore, #tpu.memory_space<semaphore_mem>>
      %dma_start3A_108 = arith.constant 0 : i32
      %dma_start3A_109 = tpu.memref_slice %arg10[%add3A_22, %dma_start3A_108] : memref<10240x128xf32, #tpu.memory_space<vmem_shared>> -> memref<64x128xf32, #tpu.memory_space<vmem_shared>>
      %dma_start3A_110 = arith.constant 0 : i32
      %dma_start3A_111 = tpu.memref_slice %arg10[%add3A_22, %dma_start3A_110] : memref<10240x128xf32, #tpu.memory_space<vmem_shared>> -> memref<64x128xf32, #tpu.memory_space<vmem_shared>>
      tpu.enqueue_dma source(%arg9 : memref<64x128xf32, #tpu.memory_space<vmem>>) target(%dma_start3A_111 : memref<64x128xf32, #tpu.memory_space<vmem_shared>>) target_semaphore(%run_scoped3A_107 : memref<!tpu.dma_semaphore, #tpu.memory_space<semaphore_mem>>)
      %dma_wait3A_112 = arith.constant 0 : i32
      %dma_wait3A_113 = tpu.memref_slice %arg10[%add3A_22, %dma_wait3A_112] : memref<10240x128xf32, #tpu.memory_space<vmem_shared>> -> memref<64x128xf32, #tpu.memory_space<vmem_shared>>
      %dma_wait3A_114 = arith.constant 0 : i32
      %dma_wait3A_115 = tpu.memref_slice %arg10[%add3A_22, %dma_wait3A_114] : memref<10240x128xf32, #tpu.memory_space<vmem_shared>> -> memref<64x128xf32, #tpu.memory_space<vmem_shared>>
      tpu.wait_dma2 semaphore(%run_scoped3A_107 : memref<!tpu.dma_semaphore, #tpu.memory_space<semaphore_mem>>) src(%arg9 : memref<64x128xf32, #tpu.memory_space<vmem>>) dst(%dma_wait3A_115 : memref<64x128xf32, #tpu.memory_space<vmem_shared>>)
      tpu.yield
    }) : () -> ()
    %mul3A_23 = arith.constant 640 : i32
    %mul3A_24 = arith.muli %arg1, %mul3A_23 : i32
    %add3A_25 = arith.constant 256 : i32
    %add3A_26 = arith.addi %mul3A_24, %add3A_25 : i32
    "tpu.region"() ({
      %run_scoped3A_107 = tpu.sem_alloc : memref<!tpu.dma_semaphore, #tpu.memory_space<semaphore_mem>>
      %dma_start3A_108 = arith.constant 0 : i32
      %dma_start3A_109 = tpu.memref_slice %arg10[%add3A_26, %dma_start3A_108] : memref<10240x128xf32, #tpu.memory_space<vmem_shared>> -> memref<64x128xf32, #tpu.memory_space<vmem_shared>>
      %dma_start3A_110 = arith.constant 0 : i32
      %dma_start3A_111 = tpu.memref_slice %arg10[%add3A_26, %dma_start3A_110] : memref<10240x128xf32, #tpu.memory_space<vmem_shared>> -> memref<64x128xf32, #tpu.memory_space<vmem_shared>>
      tpu.enqueue_dma source(%arg9 : memref<64x128xf32, #tpu.memory_space<vmem>>) target(%dma_start3A_111 : memref<64x128xf32, #tpu.memory_space<vmem_shared>>) target_semaphore(%run_scoped3A_107 : memref<!tpu.dma_semaphore, #tpu.memory_space<semaphore_mem>>)
      %dma_wait3A_112 = arith.constant 0 : i32
      %dma_wait3A_113 = tpu.memref_slice %arg10[%add3A_26, %dma_wait3A_112] : memref<10240x128xf32, #tpu.memory_space<vmem_shared>> -> memref<64x128xf32, #tpu.memory_space<vmem_shared>>
      %dma_wait3A_114 = arith.constant 0 : i32
      %dma_wait3A_115 = tpu.memref_slice %arg10[%add3A_26, %dma_wait3A_114] : memref<10240x128xf32, #tpu.memory_space<vmem_shared>> -> memref<64x128xf32, #tpu.memory_space<vmem_shared>>
      tpu.wait_dma2 semaphore(%run_scoped3A_107 : memref<!tpu.dma_semaphore, #tpu.memory_space<semaphore_mem>>) src(%arg9 : memref<64x128xf32, #tpu.memory_space<vmem>>) dst(%dma_wait3A_115 : memref<64x128xf32, #tpu.memory_space<vmem_shared>>)
      tpu.yield
    }) : () -> ()
    %mul3A_27 = arith.constant 640 : i32
    %mul3A_28 = arith.muli %arg1, %mul3A_27 : i32
    %add3A_29 = arith.constant 320 : i32
    %add3A_30 = arith.addi %mul3A_28, %add3A_29 : i32
    "tpu.region"() ({
      %run_scoped3A_107 = tpu.sem_alloc : memref<!tpu.dma_semaphore, #tpu.memory_space<semaphore_mem>>
      %dma_start3A_108 = arith.constant 0 : i32
      %dma_start3A_109 = tpu.memref_slice %arg10[%add3A_30, %dma_start3A_108] : memref<10240x128xf32, #tpu.memory_space<vmem_shared>> -> memref<64x128xf32, #tpu.memory_space<vmem_shared>>
      %dma_start3A_110 = arith.constant 0 : i32
      %dma_start3A_111 = tpu.memref_slice %arg10[%add3A_30, %dma_start3A_110] : memref<10240x128xf32, #tpu.memory_space<vmem_shared>> -> memref<64x128xf32, #tpu.memory_space<vmem_shared>>
      tpu.enqueue_dma source(%arg9 : memref<64x128xf32, #tpu.memory_space<vmem>>) target(%dma_start3A_111 : memref<64x128xf32, #tpu.memory_space<vmem_shared>>) target_semaphore(%run_scoped3A_107 : memref<!tpu.dma_semaphore, #tpu.memory_space<semaphore_mem>>)
      %dma_wait3A_112 = arith.constant 0 : i32
      %dma_wait3A_113 = tpu.memref_slice %arg10[%add3A_30, %dma_wait3A_112] : memref<10240x128xf32, #tpu.memory_space<vmem_shared>> -> memref<64x128xf32, #tpu.memory_space<vmem_shared>>
      %dma_wait3A_114 = arith.constant 0 : i32
      %dma_wait3A_115 = tpu.memref_slice %arg10[%add3A_30, %dma_wait3A_114] : memref<10240x128xf32, #tpu.memory_space<vmem_shared>> -> memref<64x128xf32, #tpu.memory_space<vmem_shared>>
      tpu.wait_dma2 semaphore(%run_scoped3A_107 : memref<!tpu.dma_semaphore, #tpu.memory_space<semaphore_mem>>) src(%arg9 : memref<64x128xf32, #tpu.memory_space<vmem>>) dst(%dma_wait3A_115 : memref<64x128xf32, #tpu.memory_space<vmem_shared>>)
      tpu.yield
    }) : () -> ()
    %mul3A_31 = arith.constant 640 : i32
    %mul3A_32 = arith.muli %arg1, %mul3A_31 : i32
    %add3A_33 = arith.constant 384 : i32
    %add3A_34 = arith.addi %mul3A_32, %add3A_33 : i32
    "tpu.region"() ({
      %run_scoped3A_107 = tpu.sem_alloc : memref<!tpu.dma_semaphore, #tpu.memory_space<semaphore_mem>>
      %dma_start3A_108 = arith.constant 0 : i32
      %dma_start3A_109 = tpu.memref_slice %arg10[%add3A_34, %dma_start3A_108] : memref<10240x128xf32, #tpu.memory_space<vmem_shared>> -> memref<64x128xf32, #tpu.memory_space<vmem_shared>>
      %dma_start3A_110 = arith.constant 0 : i32
      %dma_start3A_111 = tpu.memref_slice %arg10[%add3A_34, %dma_start3A_110] : memref<10240x128xf32, #tpu.memory_space<vmem_shared>> -> memref<64x128xf32, #tpu.memory_space<vmem_shared>>
      tpu.enqueue_dma source(%arg9 : memref<64x128xf32, #tpu.memory_space<vmem>>) target(%dma_start3A_111 : memref<64x128xf32, #tpu.memory_space<vmem_shared>>) target_semaphore(%run_scoped3A_107 : memref<!tpu.dma_semaphore, #tpu.memory_space<semaphore_mem>>)
      %dma_wait3A_112 = arith.constant 0 : i32
      %dma_wait3A_113 = tpu.memref_slice %arg10[%add3A_34, %dma_wait3A_112] : memref<10240x128xf32, #tpu.memory_space<vmem_shared>> -> memref<64x128xf32, #tpu.memory_space<vmem_shared>>
      %dma_wait3A_114 = arith.constant 0 : i32
      %dma_wait3A_115 = tpu.memref_slice %arg10[%add3A_34, %dma_wait3A_114] : memref<10240x128xf32, #tpu.memory_space<vmem_shared>> -> memref<64x128xf32, #tpu.memory_space<vmem_shared>>
      tpu.wait_dma2 semaphore(%run_scoped3A_107 : memref<!tpu.dma_semaphore, #tpu.memory_space<semaphore_mem>>) src(%arg9 : memref<64x128xf32, #tpu.memory_space<vmem>>) dst(%dma_wait3A_115 : memref<64x128xf32, #tpu.memory_space<vmem_shared>>)
      tpu.yield
    }) : () -> ()
    %mul3A_35 = arith.constant 640 : i32
    %mul3A_36 = arith.muli %arg1, %mul3A_35 : i32
    %add3A_37 = arith.constant 448 : i32
    %add3A_38 = arith.addi %mul3A_36, %add3A_37 : i32
    "tpu.region"() ({
      %run_scoped3A_107 = tpu.sem_alloc : memref<!tpu.dma_semaphore, #tpu.memory_space<semaphore_mem>>
      %dma_start3A_108 = arith.constant 0 : i32
      %dma_start3A_109 = tpu.memref_slice %arg10[%add3A_38, %dma_start3A_108] : memref<10240x128xf32, #tpu.memory_space<vmem_shared>> -> memref<64x128xf32, #tpu.memory_space<vmem_shared>>
      %dma_start3A_110 = arith.constant 0 : i32
      %dma_start3A_111 = tpu.memref_slice %arg10[%add3A_38, %dma_start3A_110] : memref<10240x128xf32, #tpu.memory_space<vmem_shared>> -> memref<64x128xf32, #tpu.memory_space<vmem_shared>>
      tpu.enqueue_dma source(%arg9 : memref<64x128xf32, #tpu.memory_space<vmem>>) target(%dma_start3A_111 : memref<64x128xf32, #tpu.memory_space<vmem_shared>>) target_semaphore(%run_scoped3A_107 : memref<!tpu.dma_semaphore, #tpu.memory_space<semaphore_mem>>)
      %dma_wait3A_112 = arith.constant 0 : i32
      %dma_wait3A_113 = tpu.memref_slice %arg10[%add3A_38, %dma_wait3A_112] : memref<10240x128xf32, #tpu.memory_space<vmem_shared>> -> memref<64x128xf32, #tpu.memory_space<vmem_shared>>
      %dma_wait3A_114 = arith.constant 0 : i32
      %dma_wait3A_115 = tpu.memref_slice %arg10[%add3A_38, %dma_wait3A_114] : memref<10240x128xf32, #tpu.memory_space<vmem_shared>> -> memref<64x128xf32, #tpu.memory_space<vmem_shared>>
      tpu.wait_dma2 semaphore(%run_scoped3A_107 : memref<!tpu.dma_semaphore, #tpu.memory_space<semaphore_mem>>) src(%arg9 : memref<64x128xf32, #tpu.memory_space<vmem>>) dst(%dma_wait3A_115 : memref<64x128xf32, #tpu.memory_space<vmem_shared>>)
      tpu.yield
    }) : () -> ()
    %mul3A_39 = arith.constant 640 : i32
    %mul3A_40 = arith.muli %arg1, %mul3A_39 : i32
    %add3A_41 = arith.constant 512 : i32
    %add3A_42 = arith.addi %mul3A_40, %add3A_41 : i32
    "tpu.region"() ({
      %run_scoped3A_107 = tpu.sem_alloc : memref<!tpu.dma_semaphore, #tpu.memory_space<semaphore_mem>>
      %dma_start3A_108 = arith.constant 0 : i32
      %dma_start3A_109 = tpu.memref_slice %arg10[%add3A_42, %dma_start3A_108] : memref<10240x128xf32, #tpu.memory_space<vmem_shared>> -> memref<64x128xf32, #tpu.memory_space<vmem_shared>>
      %dma_start3A_110 = arith.constant 0 : i32
      %dma_start3A_111 = tpu.memref_slice %arg10[%add3A_42, %dma_start3A_110] : memref<10240x128xf32, #tpu.memory_space<vmem_shared>> -> memref<64x128xf32, #tpu.memory_space<vmem_shared>>
      tpu.enqueue_dma source(%arg9 : memref<64x128xf32, #tpu.memory_space<vmem>>) target(%dma_start3A_111 : memref<64x128xf32, #tpu.memory_space<vmem_shared>>) target_semaphore(%run_scoped3A_107 : memref<!tpu.dma_semaphore, #tpu.memory_space<semaphore_mem>>)
      %dma_wait3A_112 = arith.constant 0 : i32
      %dma_wait3A_113 = tpu.memref_slice %arg10[%add3A_42, %dma_wait3A_112] : memref<10240x128xf32, #tpu.memory_space<vmem_shared>> -> memref<64x128xf32, #tpu.memory_space<vmem_shared>>
      %dma_wait3A_114 = arith.constant 0 : i32
      %dma_wait3A_115 = tpu.memref_slice %arg10[%add3A_42, %dma_wait3A_114] : memref<10240x128xf32, #tpu.memory_space<vmem_shared>> -> memref<64x128xf32, #tpu.memory_space<vmem_shared>>
      tpu.wait_dma2 semaphore(%run_scoped3A_107 : memref<!tpu.dma_semaphore, #tpu.memory_space<semaphore_mem>>) src(%arg9 : memref<64x128xf32, #tpu.memory_space<vmem>>) dst(%dma_wait3A_115 : memref<64x128xf32, #tpu.memory_space<vmem_shared>>)
      tpu.yield
    }) : () -> ()
    %mul3A_43 = arith.constant 640 : i32
    %mul3A_44 = arith.muli %arg1, %mul3A_43 : i32
    %add3A_45 = arith.constant 576 : i32
    %add3A_46 = arith.addi %mul3A_44, %add3A_45 : i32
    "tpu.region"() ({
      %run_scoped3A_107 = tpu.sem_alloc : memref<!tpu.dma_semaphore, #tpu.memory_space<semaphore_mem>>
      %dma_start3A_108 = arith.constant 0 : i32
      %dma_start3A_109 = tpu.memref_slice %arg10[%add3A_46, %dma_start3A_108] : memref<10240x128xf32, #tpu.memory_space<vmem_shared>> -> memref<64x128xf32, #tpu.memory_space<vmem_shared>>
      %dma_start3A_110 = arith.constant 0 : i32
      %dma_start3A_111 = tpu.memref_slice %arg10[%add3A_46, %dma_start3A_110] : memref<10240x128xf32, #tpu.memory_space<vmem_shared>> -> memref<64x128xf32, #tpu.memory_space<vmem_shared>>
      tpu.enqueue_dma source(%arg9 : memref<64x128xf32, #tpu.memory_space<vmem>>) target(%dma_start3A_111 : memref<64x128xf32, #tpu.memory_space<vmem_shared>>) target_semaphore(%run_scoped3A_107 : memref<!tpu.dma_semaphore, #tpu.memory_space<semaphore_mem>>)
      %dma_wait3A_112 = arith.constant 0 : i32
      %dma_wait3A_113 = tpu.memref_slice %arg10[%add3A_46, %dma_wait3A_112] : memref<10240x128xf32, #tpu.memory_space<vmem_shared>> -> memref<64x128xf32, #tpu.memory_space<vmem_shared>>
      %dma_wait3A_114 = arith.constant 0 : i32
      %dma_wait3A_115 = tpu.memref_slice %arg10[%add3A_46, %dma_wait3A_114] : memref<10240x128xf32, #tpu.memory_space<vmem_shared>> -> memref<64x128xf32, #tpu.memory_space<vmem_shared>>
      tpu.wait_dma2 semaphore(%run_scoped3A_107 : memref<!tpu.dma_semaphore, #tpu.memory_space<semaphore_mem>>) src(%arg9 : memref<64x128xf32, #tpu.memory_space<vmem>>) dst(%dma_wait3A_115 : memref<64x128xf32, #tpu.memory_space<vmem_shared>>)
      tpu.yield
    }) : () -> ()
    %barrier3A = arith.constant 0 : index
    tpu.barrier barrier_id(%barrier3A)
    %get3A = arith.constant 0 : index
    %get3A_47 = tpu.vector_load %arg6[%get3A] {strides = array<i32>} : memref<10240xi32, #tpu.memory_space<vmem>>, vector<16xi32>,
    %get3A_48 = vector.shape_cast %get3A_47 : vector<16xi32> to vector<16xi32>
    %dma_start3A = arith.constant 0 : i32
    %dma_start3A_49 = arith.constant 0 : i32
    %dma_start3A_50 = arith.constant 0 : i32
    %dma_start3A_51 = tpu.memref_slice %arg8[%dma_start3A, %dma_start3A_49, %dma_start3A_50] : memref<2x16x128xf32, #tpu.memory_space<vmem>> -> memref<1x16x128xf32, #tpu.memory_space<vmem>>
    %dma_start3A_52 = tpu.memref_squeeze %dma_start3A_51 : memref<1x16x128xf32, #tpu.memory_space<vmem>> -> memref<16x128xf32, #tpu.memory_space<vmem>>
    %dma_start3A_53 = arith.constant 0 : i32
    %dma_start3A_54 = arith.constant 0 : i32
    %dma_start3A_55 = tpu.memref_slice %arg2[%dma_start3A_53, %dma_start3A_54] : memref<10240x128xf32, #tpu.memory_space<hbm>> -> memref<10240x128xf32, #tpu.memory_space<hbm>>
    tpu.enqueue_indirect_dma source(%dma_start3A_55 : memref<10240x128xf32, #tpu.memory_space<hbm>>) target(%dma_start3A_52 : memref<16x128xf32, #tpu.memory_space<vmem>>) offsets(%get3A_48 : vector<16xi32>) semaphore(%arg11 : memref<!tpu.dma_semaphore, #tpu.memory_space<semaphore_mem>>)
    %get3A_56 = arith.constant 16 : index
    %get3A_57 = tpu.vector_load %arg6[%get3A_56] {strides = array<i32>} : memref<10240xi32, #tpu.memory_space<vmem>>, vector<16xi32>,
    %get3A_58 = vector.shape_cast %get3A_57 : vector<16xi32> to vector<16xi32>
    %dma_start3A_59 = arith.constant 1 : i32
    %dma_start3A_60 = arith.constant 0 : i32
    %dma_start3A_61 = arith.constant 0 : i32
    %dma_start3A_62 = tpu.memref_slice %arg8[%dma_start3A_59, %dma_start3A_60, %dma_start3A_61] : memref<2x16x128xf32, #tpu.memory_space<vmem>> -> memref<1x16x128xf32, #tpu.memory_space<vmem>>
    %dma_start3A_63 = tpu.memref_squeeze %dma_start3A_62 : memref<1x16x128xf32, #tpu.memory_space<vmem>> -> memref<16x128xf32, #tpu.memory_space<vmem>>
    %dma_start3A_64 = arith.constant 0 : i32
    %dma_start3A_65 = arith.constant 0 : i32
    %dma_start3A_66 = tpu.memref_slice %arg2[%dma_start3A_64, %dma_start3A_65] : memref<10240x128xf32, #tpu.memory_space<hbm>> -> memref<10240x128xf32, #tpu.memory_space<hbm>>
    tpu.enqueue_indirect_dma source(%dma_start3A_66 : memref<10240x128xf32, #tpu.memory_space<hbm>>) target(%dma_start3A_63 : memref<16x128xf32, #tpu.memory_space<vmem>>) offsets(%get3A_58 : vector<16xi32>) semaphore(%arg12 : memref<!tpu.dma_semaphore, #tpu.memory_space<semaphore_mem>>)
    %scan3A_67 = arith.constant 0 : i32
    %scan3A_68 = arith.constant 0 : i32
    %scan3A_69 = arith.constant 319 : i32
    %scan3A_70 = arith.addi %scan3A_68, %scan3A_69 : i32
    %scan3A_71 = arith.constant 1 : i32
    %scan3A_72 = scf.for %scan3A_107 = %scan3A_68 to %scan3A_70 step %scan3A_71 iter_args(%scan3A_108 = %scan3A_67) -> (i32)  : i32 {
      %mul3A_109 = arith.constant 2 : i32
      %mul3A_110 = arith.muli %scan3A_107, %mul3A_109 : i32
      %add3A_111 = arith.constant 0 : i32
      %add3A_112 = arith.addi %mul3A_110, %add3A_111 : i32
      %mul3A_113 = arith.constant 16 : i32
      %mul3A_114 = arith.muli %add3A_112, %mul3A_113 : i32
      %get3A_115 = arith.index_cast %mul3A_114 : i32 to index
      %get3A_116 = tpu.vector_load %arg6[%get3A_115] {strides = array<i32>} : memref<10240xi32, #tpu.memory_space<vmem>>, vector<16xi32>,
      %get3A_117 = vector.shape_cast %get3A_116 : vector<16xi32> to vector<16xi32>
      %dma_wait3A_118 = arith.constant 0 : i32
      %dma_wait3A_119 = arith.constant 0 : i32
      %dma_wait3A_120 = arith.constant 0 : i32
      %dma_wait3A_121 = tpu.memref_slice %arg8[%dma_wait3A_118, %dma_wait3A_119, %dma_wait3A_120] : memref<2x16x128xf32, #tpu.memory_space<vmem>> -> memref<1x16x128xf32, #tpu.memory_space<vmem>>
      %dma_wait3A_122 = tpu.memref_squeeze %dma_wait3A_121 : memref<1x16x128xf32, #tpu.memory_space<vmem>> -> memref<16x128xf32, #tpu.memory_space<vmem>>
      %dma_wait3A_123 = arith.constant 0 : i32
      %dma_wait3A_124 = arith.constant 0 : i32
      %dma_wait3A_125 = tpu.memref_slice %arg2[%dma_wait3A_123, %dma_wait3A_124] : memref<10240x128xf32, #tpu.memory_space<hbm>> -> memref<10240x128xf32, #tpu.memory_space<hbm>>
      tpu.wait_indirect_dma semaphore(%arg11 : memref<!tpu.dma_semaphore, #tpu.memory_space<semaphore_mem>>) src(%dma_wait3A_125 : memref<10240x128xf32, #tpu.memory_space<hbm>>) dst(%dma_wait3A_122 : memref<16x128xf32, #tpu.memory_space<vmem>>)
      %mul3A_126 = arith.constant 16 : i32
      %mul3A_127 = arith.muli %add3A_112, %mul3A_126 : i32
      %get3A_128 = arith.index_cast %mul3A_127 : i32 to index
      %get3A_129 = tpu.vector_load %arg7[%get3A_128] {strides = array<i32>} : memref<10240xi32, #tpu.memory_space<vmem>>, vector<16xi32>,
      %get3A_130 = vector.shape_cast %get3A_129 : vector<16xi32> to vector<16xi32>
      %run_scoped3A_131 = arith.constant 0 : i32
      "tpu.region"() ({
        %run_scoped3A_186 = tpu.sem_alloc : memref<!tpu.dma_semaphore, #tpu.memory_space<semaphore_mem>>
        %dma_start3A_187 = arith.constant 0 : i32
        %dma_start3A_188 = arith.constant 0 : i32
        %dma_start3A_189 = tpu.memref_slice %arg8[%run_scoped3A_131, %dma_start3A_187, %dma_start3A_188] : memref<2x16x128xf32, #tpu.memory_space<vmem>> -> memref<1x16x128xf32, #tpu.memory_space<vmem>>
        %dma_start3A_190 = tpu.memref_squeeze %dma_start3A_189 : memref<1x16x128xf32, #tpu.memory_space<vmem>> -> memref<16x128xf32, #tpu.memory_space<vmem>>
        %dma_start3A_191 = arith.constant 0 : i32
        %dma_start3A_192 = arith.constant 0 : i32
        %dma_start3A_193 = tpu.memref_slice %arg10[%dma_start3A_191, %dma_start3A_192] : memref<10240x128xf32, #tpu.memory_space<vmem_shared>> -> memref<10240x128xf32, #tpu.memory_space<vmem_shared>>
        tpu.enqueue_indirect_dma source(%dma_start3A_190 : memref<16x128xf32, #tpu.memory_space<vmem>>) target(%dma_start3A_193 : memref<10240x128xf32, #tpu.memory_space<vmem_shared>>) offsets(%get3A_130 : vector<16xi32>) semaphore(%run_scoped3A_186 : memref<!tpu.dma_semaphore, #tpu.memory_space<semaphore_mem>>) {add = true}
        %dma_wait3A_194 = arith.constant 0 : i32
        %dma_wait3A_195 = arith.constant 0 : i32
        %dma_wait3A_196 = tpu.memref_slice %arg8[%run_scoped3A_131, %dma_wait3A_194, %dma_wait3A_195] : memref<2x16x128xf32, #tpu.memory_space<vmem>> -> memref<1x16x128xf32, #tpu.memory_space<vmem>>
        %dma_wait3A_197 = tpu.memref_squeeze %dma_wait3A_196 : memref<1x16x128xf32, #tpu.memory_space<vmem>> -> memref<16x128xf32, #tpu.memory_space<vmem>>
        %dma_wait3A_198 = arith.constant 0 : i32
        %dma_wait3A_199 = arith.constant 0 : i32
        %dma_wait3A_200 = tpu.memref_slice %arg10[%dma_wait3A_198, %dma_wait3A_199] : memref<10240x128xf32, #tpu.memory_space<vmem_shared>> -> memref<10240x128xf32, #tpu.memory_space<vmem_shared>>
        tpu.wait_indirect_dma semaphore(%run_scoped3A_186 : memref<!tpu.dma_semaphore, #tpu.memory_space<semaphore_mem>>) src(%dma_wait3A_197 : memref<16x128xf32, #tpu.memory_space<vmem>>) dst(%dma_wait3A_200 : memref<10240x128xf32, #tpu.memory_space<vmem_shared>>)
        tpu.yield
      }) : () -> ()
      %add3A_132 = arith.constant 2 : i32
      %add3A_133 = arith.addi %add3A_112, %add3A_132 : i32
      %mul3A_134 = arith.constant 16 : i32
      %mul3A_135 = arith.muli %add3A_133, %mul3A_134 : i32
      %get3A_136 = arith.index_cast %mul3A_135 : i32 to index
      %get3A_137 = tpu.vector_load %arg6[%get3A_136] {strides = array<i32>} : memref<10240xi32, #tpu.memory_space<vmem>>, vector<16xi32>,
      %get3A_138 = vector.shape_cast %get3A_137 : vector<16xi32> to vector<16xi32>
      %dma_start3A_139 = arith.constant 0 : i32
      %dma_start3A_140 = arith.constant 0 : i32
      %dma_start3A_141 = arith.constant 0 : i32
      %dma_start3A_142 = tpu.memref_slice %arg8[%dma_start3A_139, %dma_start3A_140, %dma_start3A_141] : memref<2x16x128xf32, #tpu.memory_space<vmem>> -> memref<1x16x128xf32, #tpu.memory_space<vmem>>
      %dma_start3A_143 = tpu.memref_squeeze %dma_start3A_142 : memref<1x16x128xf32, #tpu.memory_space<vmem>> -> memref<16x128xf32, #tpu.memory_space<vmem>>
      %dma_start3A_144 = arith.constant 0 : i32
      %dma_start3A_145 = arith.constant 0 : i32
      %dma_start3A_146 = tpu.memref_slice %arg2[%dma_start3A_144, %dma_start3A_145] : memref<10240x128xf32, #tpu.memory_space<hbm>> -> memref<10240x128xf32, #tpu.memory_space<hbm>>
      tpu.enqueue_indirect_dma source(%dma_start3A_146 : memref<10240x128xf32, #tpu.memory_space<hbm>>) target(%dma_start3A_143 : memref<16x128xf32, #tpu.memory_space<vmem>>) offsets(%get3A_138 : vector<16xi32>) semaphore(%arg11 : memref<!tpu.dma_semaphore, #tpu.memory_space<semaphore_mem>>)
      %mul3A_147 = arith.constant 2 : i32
      %mul3A_148 = arith.muli %scan3A_107, %mul3A_147 : i32
      %add3A_149 = arith.constant 1 : i32
      %add3A_150 = arith.addi %mul3A_148, %add3A_149 : i32
      %mul3A_151 = arith.constant 16 : i32
      %mul3A_152 = arith.muli %add3A_150, %mul3A_151 : i32
      %get3A_153 = arith.index_cast %mul3A_152 : i32 to index
      %get3A_154 = tpu.vector_load %arg6[%get3A_153] {strides = array<i32>} : memref<10240xi32, #tpu.memory_space<vmem>>, vector<16xi32>,
      %get3A_155 = vector.shape_cast %get3A_154 : vector<16xi32> to vector<16xi32>
      %dma_wait3A_156 = arith.constant 1 : i32
      %dma_wait3A_157 = arith.constant 0 : i32
      %dma_wait3A_158 = arith.constant 0 : i32
      %dma_wait3A_159 = tpu.memref_slice %arg8[%dma_wait3A_156, %dma_wait3A_157, %dma_wait3A_158] : memref<2x16x128xf32, #tpu.memory_space<vmem>> -> memref<1x16x128xf32, #tpu.memory_space<vmem>>
      %dma_wait3A_160 = tpu.memref_squeeze %dma_wait3A_159 : memref<1x16x128xf32, #tpu.memory_space<vmem>> -> memref<16x128xf32, #tpu.memory_space<vmem>>
      %dma_wait3A_161 = arith.constant 0 : i32
      %dma_wait3A_162 = arith.constant 0 : i32
      %dma_wait3A_163 = tpu.memref_slice %arg2[%dma_wait3A_161, %dma_wait3A_162] : memref<10240x128xf32, #tpu.memory_space<hbm>> -> memref<10240x128xf32, #tpu.memory_space<hbm>>
      tpu.wait_indirect_dma semaphore(%arg12 : memref<!tpu.dma_semaphore, #tpu.memory_space<semaphore_mem>>) src(%dma_wait3A_163 : memref<10240x128xf32, #tpu.memory_space<hbm>>) dst(%dma_wait3A_160 : memref<16x128xf32, #tpu.memory_space<vmem>>)
      %mul3A_164 = arith.constant 16 : i32
      %mul3A_165 = arith.muli %add3A_150, %mul3A_164 : i32
      %get3A_166 = arith.index_cast %mul3A_165 : i32 to index
      %get3A_167 = tpu.vector_load %arg7[%get3A_166] {strides = array<i32>} : memref<10240xi32, #tpu.memory_space<vmem>>, vector<16xi32>,
      %get3A_168 = vector.shape_cast %get3A_167 : vector<16xi32> to vector<16xi32>
      %run_scoped3A_169 = arith.constant 1 : i32
      "tpu.region"() ({
        %run_scoped3A_186 = tpu.sem_alloc : memref<!tpu.dma_semaphore, #tpu.memory_space<semaphore_mem>>
        %dma_start3A_187 = arith.constant 0 : i32
        %dma_start3A_188 = arith.constant 0 : i32
        %dma_start3A_189 = tpu.memref_slice %arg8[%run_scoped3A_169, %dma_start3A_187, %dma_start3A_188] : memref<2x16x128xf32, #tpu.memory_space<vmem>> -> memref<1x16x128xf32, #tpu.memory_space<vmem>>
        %dma_start3A_190 = tpu.memref_squeeze %dma_start3A_189 : memref<1x16x128xf32, #tpu.memory_space<vmem>> -> memref<16x128xf32, #tpu.memory_space<vmem>>
        %dma_start3A_191 = arith.constant 0 : i32
        %dma_start3A_192 = arith.constant 0 : i32
        %dma_start3A_193 = tpu.memref_slice %arg10[%dma_start3A_191, %dma_start3A_192] : memref<10240x128xf32, #tpu.memory_space<vmem_shared>> -> memref<10240x128xf32, #tpu.memory_space<vmem_shared>>
        tpu.enqueue_indirect_dma source(%dma_start3A_190 : memref<16x128xf32, #tpu.memory_space<vmem>>) target(%dma_start3A_193 : memref<10240x128xf32, #tpu.memory_space<vmem_shared>>) offsets(%get3A_168 : vector<16xi32>) semaphore(%run_scoped3A_186 : memref<!tpu.dma_semaphore, #tpu.memory_space<semaphore_mem>>) {add = true}
        %dma_wait3A_194 = arith.constant 0 : i32
        %dma_wait3A_195 = arith.constant 0 : i32
        %dma_wait3A_196 = tpu.memref_slice %arg8[%run_scoped3A_169, %dma_wait3A_194, %dma_wait3A_195] : memref<2x16x128xf32, #tpu.memory_space<vmem>> -> memref<1x16x128xf32, #tpu.memory_space<vmem>>
        %dma_wait3A_197 = tpu.memref_squeeze %dma_wait3A_196 : memref<1x16x128xf32, #tpu.memory_space<vmem>> -> memref<16x128xf32, #tpu.memory_space<vmem>>
        %dma_wait3A_198 = arith.constant 0 : i32
        %dma_wait3A_199 = arith.constant 0 : i32
        %dma_wait3A_200 = tpu.memref_slice %arg10[%dma_wait3A_198, %dma_wait3A_199] : memref<10240x128xf32, #tpu.memory_space<vmem_shared>> -> memref<10240x128xf32, #tpu.memory_space<vmem_shared>>
        tpu.wait_indirect_dma semaphore(%run_scoped3A_186 : memref<!tpu.dma_semaphore, #tpu.memory_space<semaphore_mem>>) src(%dma_wait3A_197 : memref<16x128xf32, #tpu.memory_space<vmem>>) dst(%dma_wait3A_200 : memref<10240x128xf32, #tpu.memory_space<vmem_shared>>)
        tpu.yield
      }) : () -> ()
      %add3A_170 = arith.constant 2 : i32
      %add3A_171 = arith.addi %add3A_150, %add3A_170 : i32
      %mul3A_172 = arith.constant 16 : i32
      %mul3A_173 = arith.muli %add3A_171, %mul3A_172 : i32
      %get3A_174 = arith.index_cast %mul3A_173 : i32 to index
      %get3A_175 = tpu.vector_load %arg6[%get3A_174] {strides = array<i32>} : memref<10240xi32, #tpu.memory_space<vmem>>, vector<16xi32>,
      %get3A_176 = vector.shape_cast %get3A_175 : vector<16xi32> to vector<16xi32>
      %dma_start3A_177 = arith.constant 1 : i32
      %dma_start3A_178 = arith.constant 0 : i32
      %dma_start3A_179 = arith.constant 0 : i32
      %dma_start3A_180 = tpu.memref_slice %arg8[%dma_start3A_177, %dma_start3A_178, %dma_start3A_179] : memref<2x16x128xf32, #tpu.memory_space<vmem>> -> memref<1x16x128xf32, #tpu.memory_space<vmem>>
      %dma_start3A_181 = tpu.memref_squeeze %dma_start3A_180 : memref<1x16x128xf32, #tpu.memory_space<vmem>> -> memref<16x128xf32, #tpu.memory_space<vmem>>
      %dma_start3A_182 = arith.constant 0 : i32
      %dma_start3A_183 = arith.constant 0 : i32
      %dma_start3A_184 = tpu.memref_slice %arg2[%dma_start3A_182, %dma_start3A_183] : memref<10240x128xf32, #tpu.memory_space<hbm>> -> memref<10240x128xf32, #tpu.memory_space<hbm>>
      tpu.enqueue_indirect_dma source(%dma_start3A_184 : memref<10240x128xf32, #tpu.memory_space<hbm>>) target(%dma_start3A_181 : memref<16x128xf32, #tpu.memory_space<vmem>>) offsets(%get3A_176 : vector<16xi32>) semaphore(%arg12 : memref<!tpu.dma_semaphore, #tpu.memory_space<semaphore_mem>>)
      %scan3A_185 = arith.constant 0 : i32
      scf.yield %scan3A_185 : i32
    }
    %scan3A_73 = arith.constant 319 : i32
    %get3A_74 = arith.constant 10208 : index
    %get3A_75 = tpu.vector_load %arg6[%get3A_74] {strides = array<i32>} : memref<10240xi32, #tpu.memory_space<vmem>>, vector<16xi32>,
    %get3A_76 = vector.shape_cast %get3A_75 : vector<16xi32> to vector<16xi32>
    %dma_wait3A = arith.constant 0 : i32
    %dma_wait3A_77 = arith.constant 0 : i32
    %dma_wait3A_78 = arith.constant 0 : i32
    %dma_wait3A_79 = tpu.memref_slice %arg8[%dma_wait3A, %dma_wait3A_77, %dma_wait3A_78] : memref<2x16x128xf32, #tpu.memory_space<vmem>> -> memref<1x16x128xf32, #tpu.memory_space<vmem>>
    %dma_wait3A_80 = tpu.memref_squeeze %dma_wait3A_79 : memref<1x16x128xf32, #tpu.memory_space<vmem>> -> memref<16x128xf32, #tpu.memory_space<vmem>>
    %dma_wait3A_81 = arith.constant 0 : i32
    %dma_wait3A_82 = arith.constant 0 : i32
    %dma_wait3A_83 = tpu.memref_slice %arg2[%dma_wait3A_81, %dma_wait3A_82] : memref<10240x128xf32, #tpu.memory_space<hbm>> -> memref<10240x128xf32, #tpu.memory_space<hbm>>
    tpu.wait_indirect_dma semaphore(%arg11 : memref<!tpu.dma_semaphore, #tpu.memory_space<semaphore_mem>>) src(%dma_wait3A_83 : memref<10240x128xf32, #tpu.memory_space<hbm>>) dst(%dma_wait3A_80 : memref<16x128xf32, #tpu.memory_space<vmem>>)
    %get3A_84 = arith.constant 10208 : index
    %get3A_85 = tpu.vector_load %arg7[%get3A_84] {strides = array<i32>} : memref<10240xi32, #tpu.memory_space<vmem>>, vector<16xi32>,
    %get3A_86 = vector.shape_cast %get3A_85 : vector<16xi32> to vector<16xi32>
    %run_scoped3A = arith.constant 0 : i32
    "tpu.region"() ({
      %run_scoped3A_107 = tpu.sem_alloc : memref<!tpu.dma_semaphore, #tpu.memory_space<semaphore_mem>>
      %dma_start3A_108 = arith.constant 0 : i32
      %dma_start3A_109 = arith.constant 0 : i32
      %dma_start3A_110 = tpu.memref_slice %arg8[%run_scoped3A, %dma_start3A_108, %dma_start3A_109] : memref<2x16x128xf32, #tpu.memory_space<vmem>> -> memref<1x16x128xf32, #tpu.memory_space<vmem>>
      %dma_start3A_111 = tpu.memref_squeeze %dma_start3A_110 : memref<1x16x128xf32, #tpu.memory_space<vmem>> -> memref<16x128xf32, #tpu.memory_space<vmem>>
      %dma_start3A_112 = arith.constant 0 : i32
      %dma_start3A_113 = arith.constant 0 : i32
      %dma_start3A_114 = tpu.memref_slice %arg10[%dma_start3A_112, %dma_start3A_113] : memref<10240x128xf32, #tpu.memory_space<vmem_shared>> -> memref<10240x128xf32, #tpu.memory_space<vmem_shared>>
      tpu.enqueue_indirect_dma source(%dma_start3A_111 : memref<16x128xf32, #tpu.memory_space<vmem>>) target(%dma_start3A_114 : memref<10240x128xf32, #tpu.memory_space<vmem_shared>>) offsets(%get3A_86 : vector<16xi32>) semaphore(%run_scoped3A_107 : memref<!tpu.dma_semaphore, #tpu.memory_space<semaphore_mem>>) {add = true}
      %dma_wait3A_115 = arith.constant 0 : i32
      %dma_wait3A_116 = arith.constant 0 : i32
      %dma_wait3A_117 = tpu.memref_slice %arg8[%run_scoped3A, %dma_wait3A_115, %dma_wait3A_116] : memref<2x16x128xf32, #tpu.memory_space<vmem>> -> memref<1x16x128xf32, #tpu.memory_space<vmem>>
      %dma_wait3A_118 = tpu.memref_squeeze %dma_wait3A_117 : memref<1x16x128xf32, #tpu.memory_space<vmem>> -> memref<16x128xf32, #tpu.memory_space<vmem>>
      %dma_wait3A_119 = arith.constant 0 : i32
      %dma_wait3A_120 = arith.constant 0 : i32
      %dma_wait3A_121 = tpu.memref_slice %arg10[%dma_wait3A_119, %dma_wait3A_120] : memref<10240x128xf32, #tpu.memory_space<vmem_shared>> -> memref<10240x128xf32, #tpu.memory_space<vmem_shared>>
      tpu.wait_indirect_dma semaphore(%run_scoped3A_107 : memref<!tpu.dma_semaphore, #tpu.memory_space<semaphore_mem>>) src(%dma_wait3A_118 : memref<16x128xf32, #tpu.memory_space<vmem>>) dst(%dma_wait3A_121 : memref<10240x128xf32, #tpu.memory_space<vmem_shared>>)
      tpu.yield
    }) : () -> ()
    %get3A_87 = arith.constant 10224 : index
    %get3A_88 = tpu.vector_load %arg6[%get3A_87] {strides = array<i32>} : memref<10240xi32, #tpu.memory_space<vmem>>, vector<16xi32>,
    %get3A_89 = vector.shape_cast %get3A_88 : vector<16xi32> to vector<16xi32>
    %dma_wait3A_90 = arith.constant 1 : i32
    %dma_wait3A_91 = arith.constant 0 : i32
    %dma_wait3A_92 = arith.constant 0 : i32
    %dma_wait3A_93 = tpu.memref_slice %arg8[%dma_wait3A_90, %dma_wait3A_91, %dma_wait3A_92] : memref<2x16x128xf32, #tpu.memory_space<vmem>> -> memref<1x16x128xf32, #tpu.memory_space<vmem>>
    %dma_wait3A_94 = tpu.memref_squeeze %dma_wait3A_93 : memref<1x16x128xf32, #tpu.memory_space<vmem>> -> memref<16x128xf32, #tpu.memory_space<vmem>>
    %dma_wait3A_95 = arith.constant 0 : i32
    %dma_wait3A_96 = arith.constant 0 : i32
    %dma_wait3A_97 = tpu.memref_slice %arg2[%dma_wait3A_95, %dma_wait3A_96] : memref<10240x128xf32, #tpu.memory_space<hbm>> -> memref<10240x128xf32, #tpu.memory_space<hbm>>
    tpu.wait_indirect_dma semaphore(%arg12 : memref<!tpu.dma_semaphore, #tpu.memory_space<semaphore_mem>>) src(%dma_wait3A_97 : memref<10240x128xf32, #tpu.memory_space<hbm>>) dst(%dma_wait3A_94 : memref<16x128xf32, #tpu.memory_space<vmem>>)
    %get3A_98 = arith.constant 10224 : index
    %get3A_99 = tpu.vector_load %arg7[%get3A_98] {strides = array<i32>} : memref<10240xi32, #tpu.memory_space<vmem>>, vector<16xi32>,
    %get3A_100 = vector.shape_cast %get3A_99 : vector<16xi32> to vector<16xi32>
    %run_scoped3A_101 = arith.constant 1 : i32
    "tpu.region"() ({
      %run_scoped3A_107 = tpu.sem_alloc : memref<!tpu.dma_semaphore, #tpu.memory_space<semaphore_mem>>
      %dma_start3A_108 = arith.constant 0 : i32
      %dma_start3A_109 = arith.constant 0 : i32
      %dma_start3A_110 = tpu.memref_slice %arg8[%run_scoped3A_101, %dma_start3A_108, %dma_start3A_109] : memref<2x16x128xf32, #tpu.memory_space<vmem>> -> memref<1x16x128xf32, #tpu.memory_space<vmem>>
      %dma_start3A_111 = tpu.memref_squeeze %dma_start3A_110 : memref<1x16x128xf32, #tpu.memory_space<vmem>> -> memref<16x128xf32, #tpu.memory_space<vmem>>
      %dma_start3A_112 = arith.constant 0 : i32
      %dma_start3A_113 = arith.constant 0 : i32
      %dma_start3A_114 = tpu.memref_slice %arg10[%dma_start3A_112, %dma_start3A_113] : memref<10240x128xf32, #tpu.memory_space<vmem_shared>> -> memref<10240x128xf32, #tpu.memory_space<vmem_shared>>
      tpu.enqueue_indirect_dma source(%dma_start3A_111 : memref<16x128xf32, #tpu.memory_space<vmem>>) target(%dma_start3A_114 : memref<10240x128xf32, #tpu.memory_space<vmem_shared>>) offsets(%get3A_100 : vector<16xi32>) semaphore(%run_scoped3A_107 : memref<!tpu.dma_semaphore, #tpu.memory_space<semaphore_mem>>) {add = true}
      %dma_wait3A_115 = arith.constant 0 : i32
      %dma_wait3A_116 = arith.constant 0 : i32
      %dma_wait3A_117 = tpu.memref_slice %arg8[%run_scoped3A_101, %dma_wait3A_115, %dma_wait3A_116] : memref<2x16x128xf32, #tpu.memory_space<vmem>> -> memref<1x16x128xf32, #tpu.memory_space<vmem>>
      %dma_wait3A_118 = tpu.memref_squeeze %dma_wait3A_117 : memref<1x16x128xf32, #tpu.memory_space<vmem>> -> memref<16x128xf32, #tpu.memory_space<vmem>>
      %dma_wait3A_119 = arith.constant 0 : i32
      %dma_wait3A_120 = arith.constant 0 : i32
      %dma_wait3A_121 = tpu.memref_slice %arg10[%dma_wait3A_119, %dma_wait3A_120] : memref<10240x128xf32, #tpu.memory_space<vmem_shared>> -> memref<10240x128xf32, #tpu.memory_space<vmem_shared>>
      tpu.wait_indirect_dma semaphore(%run_scoped3A_107 : memref<!tpu.dma_semaphore, #tpu.memory_space<semaphore_mem>>) src(%dma_wait3A_118 : memref<16x128xf32, #tpu.memory_space<vmem>>) dst(%dma_wait3A_121 : memref<10240x128xf32, #tpu.memory_space<vmem_shared>>)
      tpu.yield
    }) : () -> ()
    %barrier3A_102 = arith.constant 0 : index
    tpu.barrier barrier_id(%barrier3A_102)
    %mul3A_103 = arith.constant 640 : i32
    %mul3A_104 = arith.muli %arg1, %mul3A_103 : i32
    %mul3A_105 = arith.constant 640 : i32
    %mul3A_106 = arith.muli %arg1, %mul3A_105 : i32
    "tpu.region"() ({
      %run_scoped3A_107 = tpu.sem_alloc : memref<!tpu.dma_semaphore, #tpu.memory_space<semaphore_mem>>
      %dma_start3A_108 = arith.constant 0 : i32
      %dma_start3A_109 = tpu.memref_slice %arg5[%arg0, %mul3A_106, %dma_start3A_108] : memref<2x10240x128xf32, #tpu.memory_space<hbm>> -> memref<1x640x128xf32, #tpu.memory_space<hbm>>
      %dma_start3A_110 = tpu.memref_squeeze %dma_start3A_109 : memref<1x640x128xf32, #tpu.memory_space<hbm>> -> memref<640x128xf32, #tpu.memory_space<hbm>>
      %dma_start3A_111 = arith.constant 0 : i32
      %dma_start3A_112 = tpu.memref_slice %arg10[%mul3A_104, %dma_start3A_111] : memref<10240x128xf32, #tpu.memory_space<vmem_shared>> -> memref<640x128xf32, #tpu.memory_space<vmem_shared>>
      tpu.enqueue_dma source(%dma_start3A_112 : memref<640x128xf32, #tpu.memory_space<vmem_shared>>) target(%dma_start3A_110 : memref<640x128xf32, #tpu.memory_space<hbm>>) target_semaphore(%run_scoped3A_107 : memref<!tpu.dma_semaphore, #tpu.memory_space<semaphore_mem>>)
      %dma_wait3A_113 = arith.constant 0 : i32
      %dma_wait3A_114 = tpu.memref_slice %arg5[%arg0, %mul3A_106, %dma_wait3A_113] : memref<2x10240x128xf32, #tpu.memory_space<hbm>> -> memref<1x640x128xf32, #tpu.memory_space<hbm>>
      %dma_wait3A_115 = tpu.memref_squeeze %dma_wait3A_114 : memref<1x640x128xf32, #tpu.memory_space<hbm>> -> memref<640x128xf32, #tpu.memory_space<hbm>>
      %dma_wait3A_116 = arith.constant 0 : i32
      %dma_wait3A_117 = tpu.memref_slice %arg10[%mul3A_104, %dma_wait3A_116] : memref<10240x128xf32, #tpu.memory_space<vmem_shared>> -> memref<640x128xf32, #tpu.memory_space<vmem_shared>>
      tpu.wait_dma2 semaphore(%run_scoped3A_107 : memref<!tpu.dma_semaphore, #tpu.memory_space<semaphore_mem>>) src(%dma_wait3A_117 : memref<640x128xf32, #tpu.memory_space<vmem_shared>>) dst(%dma_wait3A_115 : memref<640x128xf32, #tpu.memory_space<hbm>>)
      tpu.yield
    }) : () -> ()
    return
  }
}

#map = affine_map<(d0, d1) -> (0, 0)>
#map1 = affine_map<(d0, d1) -> (0, 0, 0)>
module attributes {stable_mosaic.version = 14 : i64} {
  func.func @deg_kernel(%arg0: i32, %arg1: i32, %arg2: memref<32x10240xi32, #tpu.memory_space<hbm>>, %arg3: memref<2x10240x128xf32, #tpu.memory_space<hbm>>, %arg4: memref<10240xi32, #tpu.memory_space<vmem>>, %arg5: memref<16x128xf32, #tpu.memory_space<vmem>>, %arg6: memref<64x128xf32, #tpu.memory_space<vmem>>, %arg7: memref<10240x128xf32, #tpu.memory_space<vmem_shared>>) attributes {dimension_semantics = [#tpu.dimension_semantics<core_parallel>, #tpu.dimension_semantics<subcore_parallel>], iteration_bounds = array<i64: 2, 16>, scalar_prefetch = 0 : i64, scratch_operands = 4 : i64, tpu.core_type = #tpu.core_type<sc_vector_subcore>, window_params = [{transform_indices = #map}, {transform_indices = #map1}]} {
    %mul3A = arith.constant 2 : i32
    %mul3A_0 = arith.muli %arg1, %mul3A : i32
    %add3A = arith.addi %mul3A_0, %arg0 : i32
    "tpu.region"() ({
      %run_scoped3A = tpu.sem_alloc : memref<!tpu.dma_semaphore, #tpu.memory_space<semaphore_mem>>
      %dma_start3A = arith.constant 0 : i32
      %dma_start3A_66 = tpu.memref_slice %arg2[%add3A, %dma_start3A] : memref<32x10240xi32, #tpu.memory_space<hbm>> -> memref<1x10240xi32, #tpu.memory_space<hbm>>
      %dma_start3A_67 = tpu.memref_squeeze %dma_start3A_66 : memref<1x10240xi32, #tpu.memory_space<hbm>> -> memref<10240xi32, #tpu.memory_space<hbm>>
      %dma_start3A_68 = arith.constant 0 : i32
      %dma_start3A_69 = tpu.memref_slice %arg2[%add3A, %dma_start3A_68] : memref<32x10240xi32, #tpu.memory_space<hbm>> -> memref<1x10240xi32, #tpu.memory_space<hbm>>
      %dma_start3A_70 = tpu.memref_squeeze %dma_start3A_69 : memref<1x10240xi32, #tpu.memory_space<hbm>> -> memref<10240xi32, #tpu.memory_space<hbm>>
      tpu.enqueue_dma source(%dma_start3A_70 : memref<10240xi32, #tpu.memory_space<hbm>>) target(%arg4 : memref<10240xi32, #tpu.memory_space<vmem>>) target_semaphore(%run_scoped3A : memref<!tpu.dma_semaphore, #tpu.memory_space<semaphore_mem>>)
      %dma_wait3A = arith.constant 0 : i32
      %dma_wait3A_71 = tpu.memref_slice %arg2[%add3A, %dma_wait3A] : memref<32x10240xi32, #tpu.memory_space<hbm>> -> memref<1x10240xi32, #tpu.memory_space<hbm>>
      %dma_wait3A_72 = tpu.memref_squeeze %dma_wait3A_71 : memref<1x10240xi32, #tpu.memory_space<hbm>> -> memref<10240xi32, #tpu.memory_space<hbm>>
      %dma_wait3A_73 = arith.constant 0 : i32
      %dma_wait3A_74 = tpu.memref_slice %arg2[%add3A, %dma_wait3A_73] : memref<32x10240xi32, #tpu.memory_space<hbm>> -> memref<1x10240xi32, #tpu.memory_space<hbm>>
      %dma_wait3A_75 = tpu.memref_squeeze %dma_wait3A_74 : memref<1x10240xi32, #tpu.memory_space<hbm>> -> memref<10240xi32, #tpu.memory_space<hbm>>
      tpu.wait_dma2 semaphore(%run_scoped3A : memref<!tpu.dma_semaphore, #tpu.memory_space<semaphore_mem>>) src(%dma_wait3A_75 : memref<10240xi32, #tpu.memory_space<hbm>>) dst(%arg4 : memref<10240xi32, #tpu.memory_space<vmem>>)
      tpu.yield
    }) : () -> ()
    %scan3A = arith.constant 0 : i32
    %scan3A_1 = arith.constant 0 : i32
    %scan3A_2 = arith.constant 16 : i32
    %scan3A_3 = arith.addi %scan3A_1, %scan3A_2 : i32
    %scan3A_4 = arith.constant 1 : i32
    %scan3A_5 = scf.for %scan3A_66 = %scan3A_1 to %scan3A_3 step %scan3A_4 iter_args(%scan3A_67 = %scan3A) -> (i32)  : i32 {
      %broadcast_in_dim3A = arith.constant 1.000000e+00 : f32
      %broadcast_in_dim3A_68 = vector.broadcast %broadcast_in_dim3A : f32 to vector<16xf32>
      %swap3A = arith.index_cast %scan3A_66 : i32 to index
      %swap3A_69 = arith.constant 0 : index
      %swap3A_70 = tpu.vector_load %arg5[%swap3A, %swap3A_69] {strides = array<i32>} : memref<16x128xf32, #tpu.memory_space<vmem>>, vector<1x16xf32>,
      %swap3A_71 = vector.shape_cast %swap3A_70 : vector<1x16xf32> to vector<16xf32>
      %swap3A_72 = vector.shape_cast %broadcast_in_dim3A_68 : vector<16xf32> to vector<1x16xf32>
      tpu.vector_store %arg5[%swap3A, %swap3A_69], %swap3A_72 {strides = array<i32>} : memref<16x128xf32, #tpu.memory_space<vmem>>, vector<1x16xf32>,
      %broadcast_in_dim3A_73 = arith.constant 1.000000e+00 : f32
      %broadcast_in_dim3A_74 = vector.broadcast %broadcast_in_dim3A_73 : f32 to vector<16xf32>
      %swap3A_75 = arith.index_cast %scan3A_66 : i32 to index
      %swap3A_76 = arith.constant 16 : index
      %swap3A_77 = tpu.vector_load %arg5[%swap3A_75, %swap3A_76] {strides = array<i32>} : memref<16x128xf32, #tpu.memory_space<vmem>>, vector<1x16xf32>,
      %swap3A_78 = vector.shape_cast %swap3A_77 : vector<1x16xf32> to vector<16xf32>
      %swap3A_79 = vector.shape_cast %broadcast_in_dim3A_74 : vector<16xf32> to vector<1x16xf32>
      tpu.vector_store %arg5[%swap3A_75, %swap3A_76], %swap3A_79 {strides = array<i32>} : memref<16x128xf32, #tpu.memory_space<vmem>>, vector<1x16xf32>,
      %broadcast_in_dim3A_80 = arith.constant 1.000000e+00 : f32
      %broadcast_in_dim3A_81 = vector.broadcast %broadcast_in_dim3A_80 : f32 to vector<16xf32>
      %swap3A_82 = arith.index_cast %scan3A_66 : i32 to index
      %swap3A_83 = arith.constant 32 : index
      %swap3A_84 = tpu.vector_load %arg5[%swap3A_82, %swap3A_83] {strides = array<i32>} : memref<16x128xf32, #tpu.memory_space<vmem>>, vector<1x16xf32>,
      %swap3A_85 = vector.shape_cast %swap3A_84 : vector<1x16xf32> to vector<16xf32>
      %swap3A_86 = vector.shape_cast %broadcast_in_dim3A_81 : vector<16xf32> to vector<1x16xf32>
      tpu.vector_store %arg5[%swap3A_82, %swap3A_83], %swap3A_86 {strides = array<i32>} : memref<16x128xf32, #tpu.memory_space<vmem>>, vector<1x16xf32>,
      %broadcast_in_dim3A_87 = arith.constant 1.000000e+00 : f32
      %broadcast_in_dim3A_88 = vector.broadcast %broadcast_in_dim3A_87 : f32 to vector<16xf32>
      %swap3A_89 = arith.index_cast %scan3A_66 : i32 to index
      %swap3A_90 = arith.constant 48 : index
      %swap3A_91 = tpu.vector_load %arg5[%swap3A_89, %swap3A_90] {strides = array<i32>} : memref<16x128xf32, #tpu.memory_space<vmem>>, vector<1x16xf32>,
      %swap3A_92 = vector.shape_cast %swap3A_91 : vector<1x16xf32> to vector<16xf32>
      %swap3A_93 = vector.shape_cast %broadcast_in_dim3A_88 : vector<16xf32> to vector<1x16xf32>
      tpu.vector_store %arg5[%swap3A_89, %swap3A_90], %swap3A_93 {strides = array<i32>} : memref<16x128xf32, #tpu.memory_space<vmem>>, vector<1x16xf32>,
      %broadcast_in_dim3A_94 = arith.constant 1.000000e+00 : f32
      %broadcast_in_dim3A_95 = vector.broadcast %broadcast_in_dim3A_94 : f32 to vector<16xf32>
      %swap3A_96 = arith.index_cast %scan3A_66 : i32 to index
      %swap3A_97 = arith.constant 64 : index
      %swap3A_98 = tpu.vector_load %arg5[%swap3A_96, %swap3A_97] {strides = array<i32>} : memref<16x128xf32, #tpu.memory_space<vmem>>, vector<1x16xf32>,
      %swap3A_99 = vector.shape_cast %swap3A_98 : vector<1x16xf32> to vector<16xf32>
      %swap3A_100 = vector.shape_cast %broadcast_in_dim3A_95 : vector<16xf32> to vector<1x16xf32>
      tpu.vector_store %arg5[%swap3A_96, %swap3A_97], %swap3A_100 {strides = array<i32>} : memref<16x128xf32, #tpu.memory_space<vmem>>, vector<1x16xf32>,
      %broadcast_in_dim3A_101 = arith.constant 1.000000e+00 : f32
      %broadcast_in_dim3A_102 = vector.broadcast %broadcast_in_dim3A_101 : f32 to vector<16xf32>
      %swap3A_103 = arith.index_cast %scan3A_66 : i32 to index
      %swap3A_104 = arith.constant 80 : index
      %swap3A_105 = tpu.vector_load %arg5[%swap3A_103, %swap3A_104] {strides = array<i32>} : memref<16x128xf32, #tpu.memory_space<vmem>>, vector<1x16xf32>,
      %swap3A_106 = vector.shape_cast %swap3A_105 : vector<1x16xf32> to vector<16xf32>
      %swap3A_107 = vector.shape_cast %broadcast_in_dim3A_102 : vector<16xf32> to vector<1x16xf32>
      tpu.vector_store %arg5[%swap3A_103, %swap3A_104], %swap3A_107 {strides = array<i32>} : memref<16x128xf32, #tpu.memory_space<vmem>>, vector<1x16xf32>,
      %broadcast_in_dim3A_108 = arith.constant 1.000000e+00 : f32
      %broadcast_in_dim3A_109 = vector.broadcast %broadcast_in_dim3A_108 : f32 to vector<16xf32>
      %swap3A_110 = arith.index_cast %scan3A_66 : i32 to index
      %swap3A_111 = arith.constant 96 : index
      %swap3A_112 = tpu.vector_load %arg5[%swap3A_110, %swap3A_111] {strides = array<i32>} : memref<16x128xf32, #tpu.memory_space<vmem>>, vector<1x16xf32>,
      %swap3A_113 = vector.shape_cast %swap3A_112 : vector<1x16xf32> to vector<16xf32>
      %swap3A_114 = vector.shape_cast %broadcast_in_dim3A_109 : vector<16xf32> to vector<1x16xf32>
      tpu.vector_store %arg5[%swap3A_110, %swap3A_111], %swap3A_114 {strides = array<i32>} : memref<16x128xf32, #tpu.memory_space<vmem>>, vector<1x16xf32>,
      %broadcast_in_dim3A_115 = arith.constant 1.000000e+00 : f32
      %broadcast_in_dim3A_116 = vector.broadcast %broadcast_in_dim3A_115 : f32 to vector<16xf32>
      %swap3A_117 = arith.index_cast %scan3A_66 : i32 to index
      %swap3A_118 = arith.constant 112 : index
      %swap3A_119 = tpu.vector_load %arg5[%swap3A_117, %swap3A_118] {strides = array<i32>} : memref<16x128xf32, #tpu.memory_space<vmem>>, vector<1x16xf32>,
      %swap3A_120 = vector.shape_cast %swap3A_119 : vector<1x16xf32> to vector<16xf32>
      %swap3A_121 = vector.shape_cast %broadcast_in_dim3A_116 : vector<16xf32> to vector<1x16xf32>
      tpu.vector_store %arg5[%swap3A_117, %swap3A_118], %swap3A_121 {strides = array<i32>} : memref<16x128xf32, #tpu.memory_space<vmem>>, vector<1x16xf32>,
      %scan3A_122 = arith.constant 0 : i32
      scf.yield %scan3A_122 : i32
    }
    %scan3A_6 = arith.constant 16 : i32
    %scan3A_7 = arith.constant 0 : i32
    %scan3A_8 = arith.constant 0 : i32
    %scan3A_9 = arith.constant 64 : i32
    %scan3A_10 = arith.addi %scan3A_8, %scan3A_9 : i32
    %scan3A_11 = arith.constant 1 : i32
    %scan3A_12 = scf.for %scan3A_66 = %scan3A_8 to %scan3A_10 step %scan3A_11 iter_args(%scan3A_67 = %scan3A_7) -> (i32)  : i32 {
      %broadcast_in_dim3A = arith.constant 0.000000e+00 : f32
      %broadcast_in_dim3A_68 = vector.broadcast %broadcast_in_dim3A : f32 to vector<16xf32>
      %swap3A = arith.index_cast %scan3A_66 : i32 to index
      %swap3A_69 = arith.constant 0 : index
      %swap3A_70 = tpu.vector_load %arg6[%swap3A, %swap3A_69] {strides = array<i32>} : memref<64x128xf32, #tpu.memory_space<vmem>>, vector<1x16xf32>,
      %swap3A_71 = vector.shape_cast %swap3A_70 : vector<1x16xf32> to vector<16xf32>
      %swap3A_72 = vector.shape_cast %broadcast_in_dim3A_68 : vector<16xf32> to vector<1x16xf32>
      tpu.vector_store %arg6[%swap3A, %swap3A_69], %swap3A_72 {strides = array<i32>} : memref<64x128xf32, #tpu.memory_space<vmem>>, vector<1x16xf32>,
      %broadcast_in_dim3A_73 = arith.constant 0.000000e+00 : f32
      %broadcast_in_dim3A_74 = vector.broadcast %broadcast_in_dim3A_73 : f32 to vector<16xf32>
      %swap3A_75 = arith.index_cast %scan3A_66 : i32 to index
      %swap3A_76 = arith.constant 16 : index
      %swap3A_77 = tpu.vector_load %arg6[%swap3A_75, %swap3A_76] {strides = array<i32>} : memref<64x128xf32, #tpu.memory_space<vmem>>, vector<1x16xf32>,
      %swap3A_78 = vector.shape_cast %swap3A_77 : vector<1x16xf32> to vector<16xf32>
      %swap3A_79 = vector.shape_cast %broadcast_in_dim3A_74 : vector<16xf32> to vector<1x16xf32>
      tpu.vector_store %arg6[%swap3A_75, %swap3A_76], %swap3A_79 {strides = array<i32>} : memref<64x128xf32, #tpu.memory_space<vmem>>, vector<1x16xf32>,
      %broadcast_in_dim3A_80 = arith.constant 0.000000e+00 : f32
      %broadcast_in_dim3A_81 = vector.broadcast %broadcast_in_dim3A_80 : f32 to vector<16xf32>
      %swap3A_82 = arith.index_cast %scan3A_66 : i32 to index
      %swap3A_83 = arith.constant 32 : index
      %swap3A_84 = tpu.vector_load %arg6[%swap3A_82, %swap3A_83] {strides = array<i32>} : memref<64x128xf32, #tpu.memory_space<vmem>>, vector<1x16xf32>,
      %swap3A_85 = vector.shape_cast %swap3A_84 : vector<1x16xf32> to vector<16xf32>
      %swap3A_86 = vector.shape_cast %broadcast_in_dim3A_81 : vector<16xf32> to vector<1x16xf32>
      tpu.vector_store %arg6[%swap3A_82, %swap3A_83], %swap3A_86 {strides = array<i32>} : memref<64x128xf32, #tpu.memory_space<vmem>>, vector<1x16xf32>,
      %broadcast_in_dim3A_87 = arith.constant 0.000000e+00 : f32
      %broadcast_in_dim3A_88 = vector.broadcast %broadcast_in_dim3A_87 : f32 to vector<16xf32>
      %swap3A_89 = arith.index_cast %scan3A_66 : i32 to index
      %swap3A_90 = arith.constant 48 : index
      %swap3A_91 = tpu.vector_load %arg6[%swap3A_89, %swap3A_90] {strides = array<i32>} : memref<64x128xf32, #tpu.memory_space<vmem>>, vector<1x16xf32>,
      %swap3A_92 = vector.shape_cast %swap3A_91 : vector<1x16xf32> to vector<16xf32>
      %swap3A_93 = vector.shape_cast %broadcast_in_dim3A_88 : vector<16xf32> to vector<1x16xf32>
      tpu.vector_store %arg6[%swap3A_89, %swap3A_90], %swap3A_93 {strides = array<i32>} : memref<64x128xf32, #tpu.memory_space<vmem>>, vector<1x16xf32>,
      %broadcast_in_dim3A_94 = arith.constant 0.000000e+00 : f32
      %broadcast_in_dim3A_95 = vector.broadcast %broadcast_in_dim3A_94 : f32 to vector<16xf32>
      %swap3A_96 = arith.index_cast %scan3A_66 : i32 to index
      %swap3A_97 = arith.constant 64 : index
      %swap3A_98 = tpu.vector_load %arg6[%swap3A_96, %swap3A_97] {strides = array<i32>} : memref<64x128xf32, #tpu.memory_space<vmem>>, vector<1x16xf32>,
      %swap3A_99 = vector.shape_cast %swap3A_98 : vector<1x16xf32> to vector<16xf32>
      %swap3A_100 = vector.shape_cast %broadcast_in_dim3A_95 : vector<16xf32> to vector<1x16xf32>
      tpu.vector_store %arg6[%swap3A_96, %swap3A_97], %swap3A_100 {strides = array<i32>} : memref<64x128xf32, #tpu.memory_space<vmem>>, vector<1x16xf32>,
      %broadcast_in_dim3A_101 = arith.constant 0.000000e+00 : f32
      %broadcast_in_dim3A_102 = vector.broadcast %broadcast_in_dim3A_101 : f32 to vector<16xf32>
      %swap3A_103 = arith.index_cast %scan3A_66 : i32 to index
      %swap3A_104 = arith.constant 80 : index
      %swap3A_105 = tpu.vector_load %arg6[%swap3A_103, %swap3A_104] {strides = array<i32>} : memref<64x128xf32, #tpu.memory_space<vmem>>, vector<1x16xf32>,
      %swap3A_106 = vector.shape_cast %swap3A_105 : vector<1x16xf32> to vector<16xf32>
      %swap3A_107 = vector.shape_cast %broadcast_in_dim3A_102 : vector<16xf32> to vector<1x16xf32>
      tpu.vector_store %arg6[%swap3A_103, %swap3A_104], %swap3A_107 {strides = array<i32>} : memref<64x128xf32, #tpu.memory_space<vmem>>, vector<1x16xf32>,
      %broadcast_in_dim3A_108 = arith.constant 0.000000e+00 : f32
      %broadcast_in_dim3A_109 = vector.broadcast %broadcast_in_dim3A_108 : f32 to vector<16xf32>
      %swap3A_110 = arith.index_cast %scan3A_66 : i32 to index
      %swap3A_111 = arith.constant 96 : index
      %swap3A_112 = tpu.vector_load %arg6[%swap3A_110, %swap3A_111] {strides = array<i32>} : memref<64x128xf32, #tpu.memory_space<vmem>>, vector<1x16xf32>,
      %swap3A_113 = vector.shape_cast %swap3A_112 : vector<1x16xf32> to vector<16xf32>
      %swap3A_114 = vector.shape_cast %broadcast_in_dim3A_109 : vector<16xf32> to vector<1x16xf32>
      tpu.vector_store %arg6[%swap3A_110, %swap3A_111], %swap3A_114 {strides = array<i32>} : memref<64x128xf32, #tpu.memory_space<vmem>>, vector<1x16xf32>,
      %broadcast_in_dim3A_115 = arith.constant 0.000000e+00 : f32
      %broadcast_in_dim3A_116 = vector.broadcast %broadcast_in_dim3A_115 : f32 to vector<16xf32>
      %swap3A_117 = arith.index_cast %scan3A_66 : i32 to index
      %swap3A_118 = arith.constant 112 : index
      %swap3A_119 = tpu.vector_load %arg6[%swap3A_117, %swap3A_118] {strides = array<i32>} : memref<64x128xf32, #tpu.memory_space<vmem>>, vector<1x16xf32>,
      %swap3A_120 = vector.shape_cast %swap3A_119 : vector<1x16xf32> to vector<16xf32>
      %swap3A_121 = vector.shape_cast %broadcast_in_dim3A_116 : vector<16xf32> to vector<1x16xf32>
      tpu.vector_store %arg6[%swap3A_117, %swap3A_118], %swap3A_121 {strides = array<i32>} : memref<64x128xf32, #tpu.memory_space<vmem>>, vector<1x16xf32>,
      %scan3A_122 = arith.constant 0 : i32
      scf.yield %scan3A_122 : i32
    }
    %scan3A_13 = arith.constant 64 : i32
    %mul3A_14 = arith.constant 640 : i32
    %mul3A_15 = arith.muli %arg1, %mul3A_14 : i32
    %add3A_16 = arith.constant 0 : i32
    %add3A_17 = arith.addi %mul3A_15, %add3A_16 : i32
    "tpu.region"() ({
      %run_scoped3A = tpu.sem_alloc : memref<!tpu.dma_semaphore, #tpu.memory_space<semaphore_mem>>
      %dma_start3A = arith.constant 0 : i32
      %dma_start3A_66 = tpu.memref_slice %arg7[%add3A_17, %dma_start3A] : memref<10240x128xf32, #tpu.memory_space<vmem_shared>> -> memref<64x128xf32, #tpu.memory_space<vmem_shared>>
      %dma_start3A_67 = arith.constant 0 : i32
      %dma_start3A_68 = tpu.memref_slice %arg7[%add3A_17, %dma_start3A_67] : memref<10240x128xf32, #tpu.memory_space<vmem_shared>> -> memref<64x128xf32, #tpu.memory_space<vmem_shared>>
      tpu.enqueue_dma source(%arg6 : memref<64x128xf32, #tpu.memory_space<vmem>>) target(%dma_start3A_68 : memref<64x128xf32, #tpu.memory_space<vmem_shared>>) target_semaphore(%run_scoped3A : memref<!tpu.dma_semaphore, #tpu.memory_space<semaphore_mem>>)
      %dma_wait3A = arith.constant 0 : i32
      %dma_wait3A_69 = tpu.memref_slice %arg7[%add3A_17, %dma_wait3A] : memref<10240x128xf32, #tpu.memory_space<vmem_shared>> -> memref<64x128xf32, #tpu.memory_space<vmem_shared>>
      %dma_wait3A_70 = arith.constant 0 : i32
      %dma_wait3A_71 = tpu.memref_slice %arg7[%add3A_17, %dma_wait3A_70] : memref<10240x128xf32, #tpu.memory_space<vmem_shared>> -> memref<64x128xf32, #tpu.memory_space<vmem_shared>>
      tpu.wait_dma2 semaphore(%run_scoped3A : memref<!tpu.dma_semaphore, #tpu.memory_space<semaphore_mem>>) src(%arg6 : memref<64x128xf32, #tpu.memory_space<vmem>>) dst(%dma_wait3A_71 : memref<64x128xf32, #tpu.memory_space<vmem_shared>>)
      tpu.yield
    }) : () -> ()
    %mul3A_18 = arith.constant 640 : i32
    %mul3A_19 = arith.muli %arg1, %mul3A_18 : i32
    %add3A_20 = arith.constant 64 : i32
    %add3A_21 = arith.addi %mul3A_19, %add3A_20 : i32
    "tpu.region"() ({
      %run_scoped3A = tpu.sem_alloc : memref<!tpu.dma_semaphore, #tpu.memory_space<semaphore_mem>>
      %dma_start3A = arith.constant 0 : i32
      %dma_start3A_66 = tpu.memref_slice %arg7[%add3A_21, %dma_start3A] : memref<10240x128xf32, #tpu.memory_space<vmem_shared>> -> memref<64x128xf32, #tpu.memory_space<vmem_shared>>
      %dma_start3A_67 = arith.constant 0 : i32
      %dma_start3A_68 = tpu.memref_slice %arg7[%add3A_21, %dma_start3A_67] : memref<10240x128xf32, #tpu.memory_space<vmem_shared>> -> memref<64x128xf32, #tpu.memory_space<vmem_shared>>
      tpu.enqueue_dma source(%arg6 : memref<64x128xf32, #tpu.memory_space<vmem>>) target(%dma_start3A_68 : memref<64x128xf32, #tpu.memory_space<vmem_shared>>) target_semaphore(%run_scoped3A : memref<!tpu.dma_semaphore, #tpu.memory_space<semaphore_mem>>)
      %dma_wait3A = arith.constant 0 : i32
      %dma_wait3A_69 = tpu.memref_slice %arg7[%add3A_21, %dma_wait3A] : memref<10240x128xf32, #tpu.memory_space<vmem_shared>> -> memref<64x128xf32, #tpu.memory_space<vmem_shared>>
      %dma_wait3A_70 = arith.constant 0 : i32
      %dma_wait3A_71 = tpu.memref_slice %arg7[%add3A_21, %dma_wait3A_70] : memref<10240x128xf32, #tpu.memory_space<vmem_shared>> -> memref<64x128xf32, #tpu.memory_space<vmem_shared>>
      tpu.wait_dma2 semaphore(%run_scoped3A : memref<!tpu.dma_semaphore, #tpu.memory_space<semaphore_mem>>) src(%arg6 : memref<64x128xf32, #tpu.memory_space<vmem>>) dst(%dma_wait3A_71 : memref<64x128xf32, #tpu.memory_space<vmem_shared>>)
      tpu.yield
    }) : () -> ()
    %mul3A_22 = arith.constant 640 : i32
    %mul3A_23 = arith.muli %arg1, %mul3A_22 : i32
    %add3A_24 = arith.constant 128 : i32
    %add3A_25 = arith.addi %mul3A_23, %add3A_24 : i32
    "tpu.region"() ({
      %run_scoped3A = tpu.sem_alloc : memref<!tpu.dma_semaphore, #tpu.memory_space<semaphore_mem>>
      %dma_start3A = arith.constant 0 : i32
      %dma_start3A_66 = tpu.memref_slice %arg7[%add3A_25, %dma_start3A] : memref<10240x128xf32, #tpu.memory_space<vmem_shared>> -> memref<64x128xf32, #tpu.memory_space<vmem_shared>>
      %dma_start3A_67 = arith.constant 0 : i32
      %dma_start3A_68 = tpu.memref_slice %arg7[%add3A_25, %dma_start3A_67] : memref<10240x128xf32, #tpu.memory_space<vmem_shared>> -> memref<64x128xf32, #tpu.memory_space<vmem_shared>>
      tpu.enqueue_dma source(%arg6 : memref<64x128xf32, #tpu.memory_space<vmem>>) target(%dma_start3A_68 : memref<64x128xf32, #tpu.memory_space<vmem_shared>>) target_semaphore(%run_scoped3A : memref<!tpu.dma_semaphore, #tpu.memory_space<semaphore_mem>>)
      %dma_wait3A = arith.constant 0 : i32
      %dma_wait3A_69 = tpu.memref_slice %arg7[%add3A_25, %dma_wait3A] : memref<10240x128xf32, #tpu.memory_space<vmem_shared>> -> memref<64x128xf32, #tpu.memory_space<vmem_shared>>
      %dma_wait3A_70 = arith.constant 0 : i32
      %dma_wait3A_71 = tpu.memref_slice %arg7[%add3A_25, %dma_wait3A_70] : memref<10240x128xf32, #tpu.memory_space<vmem_shared>> -> memref<64x128xf32, #tpu.memory_space<vmem_shared>>
      tpu.wait_dma2 semaphore(%run_scoped3A : memref<!tpu.dma_semaphore, #tpu.memory_space<semaphore_mem>>) src(%arg6 : memref<64x128xf32, #tpu.memory_space<vmem>>) dst(%dma_wait3A_71 : memref<64x128xf32, #tpu.memory_space<vmem_shared>>)
      tpu.yield
    }) : () -> ()
    %mul3A_26 = arith.constant 640 : i32
    %mul3A_27 = arith.muli %arg1, %mul3A_26 : i32
    %add3A_28 = arith.constant 192 : i32
    %add3A_29 = arith.addi %mul3A_27, %add3A_28 : i32
    "tpu.region"() ({
      %run_scoped3A = tpu.sem_alloc : memref<!tpu.dma_semaphore, #tpu.memory_space<semaphore_mem>>
      %dma_start3A = arith.constant 0 : i32
      %dma_start3A_66 = tpu.memref_slice %arg7[%add3A_29, %dma_start3A] : memref<10240x128xf32, #tpu.memory_space<vmem_shared>> -> memref<64x128xf32, #tpu.memory_space<vmem_shared>>
      %dma_start3A_67 = arith.constant 0 : i32
      %dma_start3A_68 = tpu.memref_slice %arg7[%add3A_29, %dma_start3A_67] : memref<10240x128xf32, #tpu.memory_space<vmem_shared>> -> memref<64x128xf32, #tpu.memory_space<vmem_shared>>
      tpu.enqueue_dma source(%arg6 : memref<64x128xf32, #tpu.memory_space<vmem>>) target(%dma_start3A_68 : memref<64x128xf32, #tpu.memory_space<vmem_shared>>) target_semaphore(%run_scoped3A : memref<!tpu.dma_semaphore, #tpu.memory_space<semaphore_mem>>)
      %dma_wait3A = arith.constant 0 : i32
      %dma_wait3A_69 = tpu.memref_slice %arg7[%add3A_29, %dma_wait3A] : memref<10240x128xf32, #tpu.memory_space<vmem_shared>> -> memref<64x128xf32, #tpu.memory_space<vmem_shared>>
      %dma_wait3A_70 = arith.constant 0 : i32
      %dma_wait3A_71 = tpu.memref_slice %arg7[%add3A_29, %dma_wait3A_70] : memref<10240x128xf32, #tpu.memory_space<vmem_shared>> -> memref<64x128xf32, #tpu.memory_space<vmem_shared>>
      tpu.wait_dma2 semaphore(%run_scoped3A : memref<!tpu.dma_semaphore, #tpu.memory_space<semaphore_mem>>) src(%arg6 : memref<64x128xf32, #tpu.memory_space<vmem>>) dst(%dma_wait3A_71 : memref<64x128xf32, #tpu.memory_space<vmem_shared>>)
      tpu.yield
    }) : () -> ()
    %mul3A_30 = arith.constant 640 : i32
    %mul3A_31 = arith.muli %arg1, %mul3A_30 : i32
    %add3A_32 = arith.constant 256 : i32
    %add3A_33 = arith.addi %mul3A_31, %add3A_32 : i32
    "tpu.region"() ({
      %run_scoped3A = tpu.sem_alloc : memref<!tpu.dma_semaphore, #tpu.memory_space<semaphore_mem>>
      %dma_start3A = arith.constant 0 : i32
      %dma_start3A_66 = tpu.memref_slice %arg7[%add3A_33, %dma_start3A] : memref<10240x128xf32, #tpu.memory_space<vmem_shared>> -> memref<64x128xf32, #tpu.memory_space<vmem_shared>>
      %dma_start3A_67 = arith.constant 0 : i32
      %dma_start3A_68 = tpu.memref_slice %arg7[%add3A_33, %dma_start3A_67] : memref<10240x128xf32, #tpu.memory_space<vmem_shared>> -> memref<64x128xf32, #tpu.memory_space<vmem_shared>>
      tpu.enqueue_dma source(%arg6 : memref<64x128xf32, #tpu.memory_space<vmem>>) target(%dma_start3A_68 : memref<64x128xf32, #tpu.memory_space<vmem_shared>>) target_semaphore(%run_scoped3A : memref<!tpu.dma_semaphore, #tpu.memory_space<semaphore_mem>>)
      %dma_wait3A = arith.constant 0 : i32
      %dma_wait3A_69 = tpu.memref_slice %arg7[%add3A_33, %dma_wait3A] : memref<10240x128xf32, #tpu.memory_space<vmem_shared>> -> memref<64x128xf32, #tpu.memory_space<vmem_shared>>
      %dma_wait3A_70 = arith.constant 0 : i32
      %dma_wait3A_71 = tpu.memref_slice %arg7[%add3A_33, %dma_wait3A_70] : memref<10240x128xf32, #tpu.memory_space<vmem_shared>> -> memref<64x128xf32, #tpu.memory_space<vmem_shared>>
      tpu.wait_dma2 semaphore(%run_scoped3A : memref<!tpu.dma_semaphore, #tpu.memory_space<semaphore_mem>>) src(%arg6 : memref<64x128xf32, #tpu.memory_space<vmem>>) dst(%dma_wait3A_71 : memref<64x128xf32, #tpu.memory_space<vmem_shared>>)
      tpu.yield
    }) : () -> ()
    %mul3A_34 = arith.constant 640 : i32
    %mul3A_35 = arith.muli %arg1, %mul3A_34 : i32
    %add3A_36 = arith.constant 320 : i32
    %add3A_37 = arith.addi %mul3A_35, %add3A_36 : i32
    "tpu.region"() ({
      %run_scoped3A = tpu.sem_alloc : memref<!tpu.dma_semaphore, #tpu.memory_space<semaphore_mem>>
      %dma_start3A = arith.constant 0 : i32
      %dma_start3A_66 = tpu.memref_slice %arg7[%add3A_37, %dma_start3A] : memref<10240x128xf32, #tpu.memory_space<vmem_shared>> -> memref<64x128xf32, #tpu.memory_space<vmem_shared>>
      %dma_start3A_67 = arith.constant 0 : i32
      %dma_start3A_68 = tpu.memref_slice %arg7[%add3A_37, %dma_start3A_67] : memref<10240x128xf32, #tpu.memory_space<vmem_shared>> -> memref<64x128xf32, #tpu.memory_space<vmem_shared>>
      tpu.enqueue_dma source(%arg6 : memref<64x128xf32, #tpu.memory_space<vmem>>) target(%dma_start3A_68 : memref<64x128xf32, #tpu.memory_space<vmem_shared>>) target_semaphore(%run_scoped3A : memref<!tpu.dma_semaphore, #tpu.memory_space<semaphore_mem>>)
      %dma_wait3A = arith.constant 0 : i32
      %dma_wait3A_69 = tpu.memref_slice %arg7[%add3A_37, %dma_wait3A] : memref<10240x128xf32, #tpu.memory_space<vmem_shared>> -> memref<64x128xf32, #tpu.memory_space<vmem_shared>>
      %dma_wait3A_70 = arith.constant 0 : i32
      %dma_wait3A_71 = tpu.memref_slice %arg7[%add3A_37, %dma_wait3A_70] : memref<10240x128xf32, #tpu.memory_space<vmem_shared>> -> memref<64x128xf32, #tpu.memory_space<vmem_shared>>
      tpu.wait_dma2 semaphore(%run_scoped3A : memref<!tpu.dma_semaphore, #tpu.memory_space<semaphore_mem>>) src(%arg6 : memref<64x128xf32, #tpu.memory_space<vmem>>) dst(%dma_wait3A_71 : memref<64x128xf32, #tpu.memory_space<vmem_shared>>)
      tpu.yield
    }) : () -> ()
    %mul3A_38 = arith.constant 640 : i32
    %mul3A_39 = arith.muli %arg1, %mul3A_38 : i32
    %add3A_40 = arith.constant 384 : i32
    %add3A_41 = arith.addi %mul3A_39, %add3A_40 : i32
    "tpu.region"() ({
      %run_scoped3A = tpu.sem_alloc : memref<!tpu.dma_semaphore, #tpu.memory_space<semaphore_mem>>
      %dma_start3A = arith.constant 0 : i32
      %dma_start3A_66 = tpu.memref_slice %arg7[%add3A_41, %dma_start3A] : memref<10240x128xf32, #tpu.memory_space<vmem_shared>> -> memref<64x128xf32, #tpu.memory_space<vmem_shared>>
      %dma_start3A_67 = arith.constant 0 : i32
      %dma_start3A_68 = tpu.memref_slice %arg7[%add3A_41, %dma_start3A_67] : memref<10240x128xf32, #tpu.memory_space<vmem_shared>> -> memref<64x128xf32, #tpu.memory_space<vmem_shared>>
      tpu.enqueue_dma source(%arg6 : memref<64x128xf32, #tpu.memory_space<vmem>>) target(%dma_start3A_68 : memref<64x128xf32, #tpu.memory_space<vmem_shared>>) target_semaphore(%run_scoped3A : memref<!tpu.dma_semaphore, #tpu.memory_space<semaphore_mem>>)
      %dma_wait3A = arith.constant 0 : i32
      %dma_wait3A_69 = tpu.memref_slice %arg7[%add3A_41, %dma_wait3A] : memref<10240x128xf32, #tpu.memory_space<vmem_shared>> -> memref<64x128xf32, #tpu.memory_space<vmem_shared>>
      %dma_wait3A_70 = arith.constant 0 : i32
      %dma_wait3A_71 = tpu.memref_slice %arg7[%add3A_41, %dma_wait3A_70] : memref<10240x128xf32, #tpu.memory_space<vmem_shared>> -> memref<64x128xf32, #tpu.memory_space<vmem_shared>>
      tpu.wait_dma2 semaphore(%run_scoped3A : memref<!tpu.dma_semaphore, #tpu.memory_space<semaphore_mem>>) src(%arg6 : memref<64x128xf32, #tpu.memory_space<vmem>>) dst(%dma_wait3A_71 : memref<64x128xf32, #tpu.memory_space<vmem_shared>>)
      tpu.yield
    }) : () -> ()
    %mul3A_42 = arith.constant 640 : i32
    %mul3A_43 = arith.muli %arg1, %mul3A_42 : i32
    %add3A_44 = arith.constant 448 : i32
    %add3A_45 = arith.addi %mul3A_43, %add3A_44 : i32
    "tpu.region"() ({
      %run_scoped3A = tpu.sem_alloc : memref<!tpu.dma_semaphore, #tpu.memory_space<semaphore_mem>>
      %dma_start3A = arith.constant 0 : i32
      %dma_start3A_66 = tpu.memref_slice %arg7[%add3A_45, %dma_start3A] : memref<10240x128xf32, #tpu.memory_space<vmem_shared>> -> memref<64x128xf32, #tpu.memory_space<vmem_shared>>
      %dma_start3A_67 = arith.constant 0 : i32
      %dma_start3A_68 = tpu.memref_slice %arg7[%add3A_45, %dma_start3A_67] : memref<10240x128xf32, #tpu.memory_space<vmem_shared>> -> memref<64x128xf32, #tpu.memory_space<vmem_shared>>
      tpu.enqueue_dma source(%arg6 : memref<64x128xf32, #tpu.memory_space<vmem>>) target(%dma_start3A_68 : memref<64x128xf32, #tpu.memory_space<vmem_shared>>) target_semaphore(%run_scoped3A : memref<!tpu.dma_semaphore, #tpu.memory_space<semaphore_mem>>)
      %dma_wait3A = arith.constant 0 : i32
      %dma_wait3A_69 = tpu.memref_slice %arg7[%add3A_45, %dma_wait3A] : memref<10240x128xf32, #tpu.memory_space<vmem_shared>> -> memref<64x128xf32, #tpu.memory_space<vmem_shared>>
      %dma_wait3A_70 = arith.constant 0 : i32
      %dma_wait3A_71 = tpu.memref_slice %arg7[%add3A_45, %dma_wait3A_70] : memref<10240x128xf32, #tpu.memory_space<vmem_shared>> -> memref<64x128xf32, #tpu.memory_space<vmem_shared>>
      tpu.wait_dma2 semaphore(%run_scoped3A : memref<!tpu.dma_semaphore, #tpu.memory_space<semaphore_mem>>) src(%arg6 : memref<64x128xf32, #tpu.memory_space<vmem>>) dst(%dma_wait3A_71 : memref<64x128xf32, #tpu.memory_space<vmem_shared>>)
      tpu.yield
    }) : () -> ()
    %mul3A_46 = arith.constant 640 : i32
    %mul3A_47 = arith.muli %arg1, %mul3A_46 : i32
    %add3A_48 = arith.constant 512 : i32
    %add3A_49 = arith.addi %mul3A_47, %add3A_48 : i32
    "tpu.region"() ({
      %run_scoped3A = tpu.sem_alloc : memref<!tpu.dma_semaphore, #tpu.memory_space<semaphore_mem>>
      %dma_start3A = arith.constant 0 : i32
      %dma_start3A_66 = tpu.memref_slice %arg7[%add3A_49, %dma_start3A] : memref<10240x128xf32, #tpu.memory_space<vmem_shared>> -> memref<64x128xf32, #tpu.memory_space<vmem_shared>>
      %dma_start3A_67 = arith.constant 0 : i32
      %dma_start3A_68 = tpu.memref_slice %arg7[%add3A_49, %dma_start3A_67] : memref<10240x128xf32, #tpu.memory_space<vmem_shared>> -> memref<64x128xf32, #tpu.memory_space<vmem_shared>>
      tpu.enqueue_dma source(%arg6 : memref<64x128xf32, #tpu.memory_space<vmem>>) target(%dma_start3A_68 : memref<64x128xf32, #tpu.memory_space<vmem_shared>>) target_semaphore(%run_scoped3A : memref<!tpu.dma_semaphore, #tpu.memory_space<semaphore_mem>>)
      %dma_wait3A = arith.constant 0 : i32
      %dma_wait3A_69 = tpu.memref_slice %arg7[%add3A_49, %dma_wait3A] : memref<10240x128xf32, #tpu.memory_space<vmem_shared>> -> memref<64x128xf32, #tpu.memory_space<vmem_shared>>
      %dma_wait3A_70 = arith.constant 0 : i32
      %dma_wait3A_71 = tpu.memref_slice %arg7[%add3A_49, %dma_wait3A_70] : memref<10240x128xf32, #tpu.memory_space<vmem_shared>> -> memref<64x128xf32, #tpu.memory_space<vmem_shared>>
      tpu.wait_dma2 semaphore(%run_scoped3A : memref<!tpu.dma_semaphore, #tpu.memory_space<semaphore_mem>>) src(%arg6 : memref<64x128xf32, #tpu.memory_space<vmem>>) dst(%dma_wait3A_71 : memref<64x128xf32, #tpu.memory_space<vmem_shared>>)
      tpu.yield
    }) : () -> ()
    %mul3A_50 = arith.constant 640 : i32
    %mul3A_51 = arith.muli %arg1, %mul3A_50 : i32
    %add3A_52 = arith.constant 576 : i32
    %add3A_53 = arith.addi %mul3A_51, %add3A_52 : i32
    "tpu.region"() ({
      %run_scoped3A = tpu.sem_alloc : memref<!tpu.dma_semaphore, #tpu.memory_space<semaphore_mem>>
      %dma_start3A = arith.constant 0 : i32
      %dma_start3A_66 = tpu.memref_slice %arg7[%add3A_53, %dma_start3A] : memref<10240x128xf32, #tpu.memory_space<vmem_shared>> -> memref<64x128xf32, #tpu.memory_space<vmem_shared>>
      %dma_start3A_67 = arith.constant 0 : i32
      %dma_start3A_68 = tpu.memref_slice %arg7[%add3A_53, %dma_start3A_67] : memref<10240x128xf32, #tpu.memory_space<vmem_shared>> -> memref<64x128xf32, #tpu.memory_space<vmem_shared>>
      tpu.enqueue_dma source(%arg6 : memref<64x128xf32, #tpu.memory_space<vmem>>) target(%dma_start3A_68 : memref<64x128xf32, #tpu.memory_space<vmem_shared>>) target_semaphore(%run_scoped3A : memref<!tpu.dma_semaphore, #tpu.memory_space<semaphore_mem>>)
      %dma_wait3A = arith.constant 0 : i32
      %dma_wait3A_69 = tpu.memref_slice %arg7[%add3A_53, %dma_wait3A] : memref<10240x128xf32, #tpu.memory_space<vmem_shared>> -> memref<64x128xf32, #tpu.memory_space<vmem_shared>>
      %dma_wait3A_70 = arith.constant 0 : i32
      %dma_wait3A_71 = tpu.memref_slice %arg7[%add3A_53, %dma_wait3A_70] : memref<10240x128xf32, #tpu.memory_space<vmem_shared>> -> memref<64x128xf32, #tpu.memory_space<vmem_shared>>
      tpu.wait_dma2 semaphore(%run_scoped3A : memref<!tpu.dma_semaphore, #tpu.memory_space<semaphore_mem>>) src(%arg6 : memref<64x128xf32, #tpu.memory_space<vmem>>) dst(%dma_wait3A_71 : memref<64x128xf32, #tpu.memory_space<vmem_shared>>)
      tpu.yield
    }) : () -> ()
    %barrier3A = arith.constant 0 : index
    tpu.barrier barrier_id(%barrier3A)
    %scan3A_54 = arith.constant 0 : i32
    %scan3A_55 = arith.constant 0 : i32
    %scan3A_56 = arith.constant 640 : i32
    %scan3A_57 = arith.addi %scan3A_55, %scan3A_56 : i32
    %scan3A_58 = arith.constant 1 : i32
    %scan3A_59 = scf.for %scan3A_66 = %scan3A_55 to %scan3A_57 step %scan3A_58 iter_args(%scan3A_67 = %scan3A_54) -> (i32)  : i32 {
      %mul3A_68 = arith.constant 16 : i32
      %mul3A_69 = arith.muli %scan3A_66, %mul3A_68 : i32
      %get3A = arith.index_cast %mul3A_69 : i32 to index
      %get3A_70 = tpu.vector_load %arg4[%get3A] {strides = array<i32>} : memref<10240xi32, #tpu.memory_space<vmem>>, vector<16xi32>,
      %get3A_71 = vector.shape_cast %get3A_70 : vector<16xi32> to vector<16xi32>
      "tpu.region"() ({
        %run_scoped3A = tpu.sem_alloc : memref<!tpu.dma_semaphore, #tpu.memory_space<semaphore_mem>>
        %dma_start3A = arith.constant 0 : i32
        %dma_start3A_73 = arith.constant 0 : i32
        %dma_start3A_74 = tpu.memref_slice %arg7[%dma_start3A, %dma_start3A_73] : memref<10240x128xf32, #tpu.memory_space<vmem_shared>> -> memref<10240x128xf32, #tpu.memory_space<vmem_shared>>
        tpu.enqueue_indirect_dma source(%arg5 : memref<16x128xf32, #tpu.memory_space<vmem>>) target(%dma_start3A_74 : memref<10240x128xf32, #tpu.memory_space<vmem_shared>>) offsets(%get3A_71 : vector<16xi32>) semaphore(%run_scoped3A : memref<!tpu.dma_semaphore, #tpu.memory_space<semaphore_mem>>) {add = true}
        %dma_wait3A = arith.constant 0 : i32
        %dma_wait3A_75 = arith.constant 0 : i32
        %dma_wait3A_76 = tpu.memref_slice %arg7[%dma_wait3A, %dma_wait3A_75] : memref<10240x128xf32, #tpu.memory_space<vmem_shared>> -> memref<10240x128xf32, #tpu.memory_space<vmem_shared>>
        tpu.wait_indirect_dma semaphore(%run_scoped3A : memref<!tpu.dma_semaphore, #tpu.memory_space<semaphore_mem>>) src(%arg5 : memref<16x128xf32, #tpu.memory_space<vmem>>) dst(%dma_wait3A_76 : memref<10240x128xf32, #tpu.memory_space<vmem_shared>>)
        tpu.yield
      }) : () -> ()
      %scan3A_72 = arith.constant 0 : i32
      scf.yield %scan3A_72 : i32
    }
    %scan3A_60 = arith.constant 640 : i32
    %barrier3A_61 = arith.constant 0 : index
    tpu.barrier barrier_id(%barrier3A_61)
    %mul3A_62 = arith.constant 640 : i32
    %mul3A_63 = arith.muli %arg1, %mul3A_62 : i32
    %mul3A_64 = arith.constant 640 : i32
    %mul3A_65 = arith.muli %arg1, %mul3A_64 : i32
    "tpu.region"() ({
      %run_scoped3A = tpu.sem_alloc : memref<!tpu.dma_semaphore, #tpu.memory_space<semaphore_mem>>
      %dma_start3A = arith.constant 0 : i32
      %dma_start3A_66 = tpu.memref_slice %arg3[%arg0, %mul3A_65, %dma_start3A] : memref<2x10240x128xf32, #tpu.memory_space<hbm>> -> memref<1x640x128xf32, #tpu.memory_space<hbm>>
      %dma_start3A_67 = tpu.memref_squeeze %dma_start3A_66 : memref<1x640x128xf32, #tpu.memory_space<hbm>> -> memref<640x128xf32, #tpu.memory_space<hbm>>
      %dma_start3A_68 = arith.constant 0 : i32
      %dma_start3A_69 = tpu.memref_slice %arg7[%mul3A_63, %dma_start3A_68] : memref<10240x128xf32, #tpu.memory_space<vmem_shared>> -> memref<640x128xf32, #tpu.memory_space<vmem_shared>>
      tpu.enqueue_dma source(%dma_start3A_69 : memref<640x128xf32, #tpu.memory_space<vmem_shared>>) target(%dma_start3A_67 : memref<640x128xf32, #tpu.memory_space<hbm>>) target_semaphore(%run_scoped3A : memref<!tpu.dma_semaphore, #tpu.memory_space<semaphore_mem>>)
      %dma_wait3A = arith.constant 0 : i32
      %dma_wait3A_70 = tpu.memref_slice %arg3[%arg0, %mul3A_65, %dma_wait3A] : memref<2x10240x128xf32, #tpu.memory_space<hbm>> -> memref<1x640x128xf32, #tpu.memory_space<hbm>>
      %dma_wait3A_71 = tpu.memref_squeeze %dma_wait3A_70 : memref<1x640x128xf32, #tpu.memory_space<hbm>> -> memref<640x128xf32, #tpu.memory_space<hbm>>
      %dma_wait3A_72 = arith.constant 0 : i32
      %dma_wait3A_73 = tpu.memref_slice %arg7[%mul3A_63, %dma_wait3A_72] : memref<10240x128xf32, #tpu.memory_space<vmem_shared>> -> memref<640x128xf32, #tpu.memory_space<vmem_shared>>
      tpu.wait_dma2 semaphore(%run_scoped3A : memref<!tpu.dma_semaphore, #tpu.memory_space<semaphore_mem>>) src(%dma_wait3A_73 : memref<640x128xf32, #tpu.memory_space<vmem_shared>>) dst(%dma_wait3A_71 : memref<640x128xf32, #tpu.memory_space<hbm>>)
      tpu.yield
    }) : () -> ()
    return
  }
}

module attributes {stable_mosaic.version = 14 : i64} {
  func.func @_xw_body(%arg0: i32, %arg1: memref<128x128xf32, #tpu.memory_space<vmem>>, %arg2: memref<128x128xf32, #tpu.memory_space<vmem>>, %arg3: memref<2x128x128xf32, #tpu.memory_space<vmem>>, %arg4: memref<128x128xf32, #tpu.memory_space<vmem>>, %arg5: memref<128x128xf32, #tpu.memory_space<vmem>>, %arg6: memref<128x128xf32, #tpu.memory_space<vmem>>) attributes {dimension_semantics = [#tpu.dimension_semantics<arbitrary>], iteration_bounds = array<i64: 80>, scalar_prefetch = 0 : i64, scratch_operands = 0 : i64, tpu.core_type = #tpu.core_type<tc>, window_params = [{transform_indices = @transform_0, window_bounds = array<i64: 128, 128>}, {pipeline_mode = #tpu.pipeline_mode<synchronous>, transform_indices = @transform_1, window_bounds = array<i64: 128, 128>}, {transform_indices = @transform_2, window_bounds = array<i64: 2, 128, 128>}, {transform_indices = @transform_3, window_bounds = array<i64: 128, 128>}, {transform_indices = @transform_4, window_bounds = array<i64: 128, 128>}, {transform_indices = @transform_5, window_bounds = array<i64: 128, 128>}]} {
    %get3A = arith.constant 0 : index
    %get3A_0 = arith.constant 0 : index
    %get3A_1 = vector.load %arg1[%get3A, %get3A_0] : memref<128x128xf32, #tpu.memory_space<vmem>>, vector<128x128xf32>
    %convert_element_type3A = arith.truncf %get3A_1 : vector<128x128xf32> to vector<128x128xbf16>
    %get3A_2 = arith.constant 0 : index
    %get3A_3 = arith.constant 0 : index
    %get3A_4 = vector.load %arg2[%get3A_2, %get3A_3] : memref<128x128xf32, #tpu.memory_space<vmem>>, vector<128x128xf32>
    %convert_element_type3A_5 = arith.truncf %get3A_4 : vector<128x128xf32> to vector<128x128xbf16>
    %dot_general3A = arith.constant dense<0.000000e+00> : vector<128x128xf32>
    %dot_general3A_6 = tpu.matmul %convert_element_type3A, %convert_element_type3A_5, %dot_general3A {dimension_numbers = #tpu.dot_dimension_numbers<[1], [1], [0], [0], [0, 0, 1, 0], [], []>, transpose_lhs_hint = false} : vector<128x128xbf16>, vector<128x128xbf16>, vector<128x128xf32> -> vector<128x128xf32>
    %get3A_7 = arith.constant 0 : index
    %get3A_8 = arith.constant 0 : index
    %get3A_9 = arith.constant 0 : index
    %get3A_10 = vector.load %arg3[%get3A_7, %get3A_8, %get3A_9] : memref<2x128x128xf32, #tpu.memory_space<vmem>>, vector<1x128x1xf32>
    %get3A_11 = vector.shape_cast %get3A_10 : vector<1x128x1xf32> to vector<128x1xf32>
    %get3A_12 = arith.constant 1 : index
    %get3A_13 = arith.constant 0 : index
    %get3A_14 = arith.constant 0 : index
    %get3A_15 = vector.load %arg3[%get3A_12, %get3A_13, %get3A_14] : memref<2x128x128xf32, #tpu.memory_space<vmem>>, vector<1x128x1xf32>
    %get3A_16 = vector.shape_cast %get3A_15 : vector<1x128x1xf32> to vector<128x1xf32>
    %add3A = arith.addf %get3A_11, %get3A_16 : vector<128x1xf32>
    %add3A_17 = arith.constant 1.000000e+00 : f32
    %add3A_18 = vector.broadcast %add3A_17 : f32 to vector<128x1xf32>
    %add3A_19 = arith.addf %add3A, %add3A_18 : vector<128x1xf32>
    %sqrt3A = math.sqrt %add3A_19 : vector<128x1xf32>
    %div3A = arith.constant 1.000000e+00 : f32
    %div3A_20 = vector.broadcast %div3A : f32 to vector<128x1xf32>
    %div3A_21 = arith.divf %div3A_20, %sqrt3A : vector<128x1xf32>
    %broadcast_in_dim3A = vector.shape_cast %div3A_21 : vector<128x1xf32> to vector<128x1xf32>
    %broadcast_in_dim3A_22 = vector.broadcast %broadcast_in_dim3A : vector<128x1xf32> to vector<128x128xf32>
    %swap3A = arith.constant 0 : index
    %swap3A_23 = arith.constant 0 : index
    %swap3A_24 = vector.load %arg4[%swap3A, %swap3A_23] : memref<128x128xf32, #tpu.memory_space<vmem>>, vector<128x128xf32>
    tpu.vector_store %arg4[%swap3A, %swap3A_23], %dot_general3A_6 {strides = array<i32>} : memref<128x128xf32, #tpu.memory_space<vmem>>, vector<128x128xf32>,
    %swap3A_25 = arith.constant 0 : index
    %swap3A_26 = arith.constant 0 : index
    %swap3A_27 = vector.load %arg6[%swap3A_25, %swap3A_26] : memref<128x128xf32, #tpu.memory_space<vmem>>, vector<128x128xf32>
    tpu.vector_store %arg6[%swap3A_25, %swap3A_26], %broadcast_in_dim3A_22 {strides = array<i32>} : memref<128x128xf32, #tpu.memory_space<vmem>>, vector<128x128xf32>,
    %mul3A = arith.mulf %dot_general3A_6, %broadcast_in_dim3A_22 : vector<128x128xf32>
    %swap3A_28 = arith.constant 0 : index
    %swap3A_29 = arith.constant 0 : index
    %swap3A_30 = vector.load %arg5[%swap3A_28, %swap3A_29] : memref<128x128xf32, #tpu.memory_space<vmem>>, vector<128x128xf32>
    tpu.vector_store %arg5[%swap3A_28, %swap3A_29], %mul3A {strides = array<i32>} : memref<128x128xf32, #tpu.memory_space<vmem>>, vector<128x128xf32>,
    return
  }
  func.func @transform_0(%arg0: i32) -> (i32, i32) {
    %c0_i32 = arith.constant 0 : i32
    %c0_i32_0 = arith.constant 0 : i32
    return %arg0, %c0_i32 : i32, i32
  }
  func.func @transform_1(%arg0: i32) -> (i32, i32) {
    %c0_i32 = arith.constant 0 : i32
    %c0_i32_0 = arith.constant 0 : i32
    %c0_i32_1 = arith.constant 0 : i32
    return %c0_i32, %c0_i32_0 : i32, i32
  }
  func.func @transform_2(%arg0: i32) -> (i32, i32, i32) {
    %c0_i32 = arith.constant 0 : i32
    %c0_i32_0 = arith.constant 0 : i32
    %c0_i32_1 = arith.constant 0 : i32
    return %c0_i32, %arg0, %c0_i32_0 : i32, i32, i32
  }
  func.func @transform_3(%arg0: i32) -> (i32, i32) {
    %c0_i32 = arith.constant 0 : i32
    %c0_i32_0 = arith.constant 0 : i32
    return %arg0, %c0_i32 : i32, i32
  }
  func.func @transform_4(%arg0: i32) -> (i32, i32) {
    %c0_i32 = arith.constant 0 : i32
    %c0_i32_0 = arith.constant 0 : i32
    return %arg0, %c0_i32 : i32, i32
  }
  func.func @transform_5(%arg0: i32) -> (i32, i32) {
    %c0_i32 = arith.constant 0 : i32
    %c0_i32_0 = arith.constant 0 : i32
    return %arg0, %c0_i32 : i32, i32
  }
}

module attributes {stable_mosaic.version = 14 : i64} {
  func.func @_topk_gru_body(%arg0: memref<10240x128xf32, #tpu.memory_space<vmem>>, %arg1: memref<1x128xf32, #tpu.memory_space<vmem>>, %arg2: memref<128x384xf32, #tpu.memory_space<vmem>>, %arg3: memref<128x384xf32, #tpu.memory_space<vmem>>, %arg4: memref<1x384xf32, #tpu.memory_space<vmem>>, %arg5: memref<1x384xf32, #tpu.memory_space<vmem>>, %arg6: memref<128x128xf32, #tpu.memory_space<vmem>>, %arg7: memref<128x128xf32, #tpu.memory_space<vmem>>, %arg8: memref<128x128xf32, #tpu.memory_space<vmem>>) attributes {dimension_semantics = [], scalar_prefetch = 0 : i64, scratch_operands = 1 : i64, tpu.core_type = #tpu.core_type<tc>} {
    %iota3A = tpu.iota {dimensions = array<i32: 0>} : vector<80x128xi32>
    %mul3A = arith.constant 128 : i32
    %mul3A_0 = vector.broadcast %mul3A : i32 to vector<80x128xi32>
    %mul3A_1 = arith.muli %iota3A, %mul3A_0 : vector<80x128xi32>
    %iota3A_2 = tpu.iota {dimensions = array<i32: 1>} : vector<80x128xi32>
    %add3A = arith.addi %mul3A_1, %iota3A_2 : vector<80x128xi32>
    %get3A = arith.constant 0 : index
    %get3A_3 = arith.constant 0 : index
    %get3A_4 = vector.load %arg1[%get3A, %get3A_3] : memref<1x128xf32, #tpu.memory_space<vmem>>, vector<1x128xf32>
    %mul3A_5 = arith.mulf %get3A_4, %get3A_4 : vector<1x128xf32>
    %reduce_sum3A = vector.shape_cast %mul3A_5 : vector<1x128xf32> to vector<1x1x128xf32>
    %reduce_sum3A_6 = arith.constant dense<0.000000e+00> : vector<1xf32>
    %reduce_sum3A_7 = vector.multi_reduction <add>, %reduce_sum3A, %reduce_sum3A_6 [1, 2] : vector<1x1x128xf32> to vector<1xf32>
    %reduce_sum3A_8 = vector.shape_cast %reduce_sum3A_7 : vector<1xf32> to vector<1x1x1xf32>
    %reduce_sum3A_9 = vector.extract %reduce_sum3A_8[0, 0, 0] : f32 from vector<1x1x1xf32>
    %sqrt3A = math.sqrt %reduce_sum3A_9 : f32
    %div3A = arith.constant 1.000000e+00 : f32
    %div3A_10 = arith.divf %div3A, %sqrt3A : f32
    %convert_element_type3A = arith.truncf %get3A_4 : vector<1x128xf32> to vector<1x128xbf16>
    %convert_element_type3A_11 = arith.extf %convert_element_type3A : vector<1x128xbf16> to vector<1x128xf32>
    %get3A_12 = arith.constant 0 : index
    %get3A_13 = arith.constant 0 : index
    %get3A_14 = vector.load %arg0[%get3A_12, %get3A_13] : memref<10240x128xf32, #tpu.memory_space<vmem>>, vector<10240x128xf32>
    %reshape3A = vector.shape_cast %get3A_14 : vector<10240x128xf32> to vector<80x128x128xf32>
    %convert_element_type3A_15 = arith.truncf %reshape3A : vector<80x128x128xf32> to vector<80x128x128xbf16>
    %convert_element_type3A_16 = arith.extf %convert_element_type3A_15 : vector<80x128x128xbf16> to vector<80x128x128xf32>
    %broadcast_in_dim3A = vector.shape_cast %convert_element_type3A_11 : vector<1x128xf32> to vector<1x1x128xf32>
    %mul3A_17 = vector.broadcast %broadcast_in_dim3A : vector<1x1x128xf32> to vector<80x128x128xf32>
    %mul3A_18 = arith.mulf %convert_element_type3A_16, %mul3A_17 : vector<80x128x128xf32>
    %reduce_sum3A_19 = arith.constant dense<0.000000e+00> : vector<80x128xf32>
    %reduce_sum3A_20 = vector.multi_reduction <add>, %mul3A_18, %reduce_sum3A_19 [2] : vector<80x128x128xf32> to vector<80x128xf32>
    %mul3A_21 = vector.broadcast %div3A_10 : f32 to vector<80x128xf32>
    %mul3A_22 = arith.mulf %reduce_sum3A_20, %mul3A_21 : vector<80x128xf32>
    %lt3A = arith.constant 10000 : i32
    %lt3A_23 = vector.broadcast %lt3A : i32 to vector<80x128xi32>
    %lt3A_24 = arith.cmpi slt, %add3A, %lt3A_23 : vector<80x128xi32>
    %jit3A = arith.constant 0xFF800000 : f32
    %broadcast_in_dim3A_25 = vector.broadcast %jit3A : f32 to vector<80x128xf32>
    %select_n3A = arith.select %lt3A_24, %mul3A_22, %broadcast_in_dim3A_25 : vector<80x128xi1>, vector<80x128xf32>
    %scan3A = arith.constant 0 : i32
    %scan3A_26 = arith.constant 128 : i32
    %scan3A_27 = arith.addi %scan3A, %scan3A_26 : i32
    %scan3A_28 = arith.constant 1 : i32
    %scan3A_29 = scf.for %scan3A_90 = %scan3A to %scan3A_27 step %scan3A_28 iter_args(%scan3A_91 = %select_n3A) -> (vector<80x128xf32>)  : i32 {
      %reduce_max3A = vector.shape_cast %scan3A_91 : vector<80x128xf32> to vector<1x80x128xf32>
      %reduce_max3A_92 = arith.constant dense<0xFF800000> : vector<1xf32>
      %reduce_max3A_93 = vector.multi_reduction <maximumf>, %reduce_max3A, %reduce_max3A_92 [1, 2] : vector<1x80x128xf32> to vector<1xf32>
      %reduce_max3A_94 = vector.shape_cast %reduce_max3A_93 : vector<1xf32> to vector<1x1x1xf32>
      %reduce_max3A_95 = vector.extract %reduce_max3A_94[0, 0, 0] : f32 from vector<1x1x1xf32>
      %eq3A = vector.broadcast %reduce_max3A_95 : f32 to vector<80x128xf32>
      %eq3A_96 = arith.cmpf oeq, %scan3A_91, %eq3A : vector<80x128xf32>
      %jit3A_97 = arith.constant 1073741824 : i32
      %broadcast_in_dim3A_98 = vector.broadcast %jit3A_97 : i32 to vector<80x128xi32>
      %select_n3A_99 = arith.select %eq3A_96, %add3A, %broadcast_in_dim3A_98 : vector<80x128xi1>, vector<80x128xi32>
      %reduce_min3A = vector.shape_cast %select_n3A_99 : vector<80x128xi32> to vector<1x80x128xi32>
      %reduce_min3A_100 = arith.constant dense<2147483647> : vector<1xi32>
      %reduce_min3A_101 = vector.multi_reduction <minsi>, %reduce_min3A, %reduce_min3A_100 [1, 2] : vector<1x80x128xi32> to vector<1xi32>
      %reduce_min3A_102 = vector.shape_cast %reduce_min3A_101 : vector<1xi32> to vector<1x1x1xi32>
      %reduce_min3A_103 = vector.extract %reduce_min3A_102[0, 0, 0] : i32 from vector<1x1x1xi32>
      %get3A_104 = arith.index_cast %reduce_min3A_103 : i32 to index
      %get3A_105 = arith.constant 0 : index
      %get3A_106 = vector.load %arg0[%get3A_104, %get3A_105] : memref<10240x128xf32, #tpu.memory_space<vmem>>, vector<1x128xf32>
      %tanh3A_107 = math.tanh %reduce_max3A_95 : f32
      %mul3A_108 = vector.broadcast %tanh3A_107 : f32 to vector<1x128xf32>
      %mul3A_109 = arith.mulf %get3A_106, %mul3A_108 : vector<1x128xf32>
      %swap3A_110 = arith.index_cast %scan3A_90 : i32 to index
      %swap3A_111 = arith.constant 0 : index
      %swap3A_112 = vector.load %arg8[%swap3A_110, %swap3A_111] : memref<128x128xf32, #tpu.memory_space<vmem>>, vector<1x128xf32>
      tpu.vector_store %arg8[%swap3A_110, %swap3A_111], %mul3A_109 {strides = array<i32>} : memref<128x128xf32, #tpu.memory_space<vmem>>, vector<1x128xf32>,
      %eq3A_113 = vector.broadcast %reduce_min3A_103 : i32 to vector<80x128xi32>
      %eq3A_114 = arith.cmpi eq, %add3A, %eq3A_113 : vector<80x128xi32>
      %jit3A_115 = arith.constant 0xFF800000 : f32
      %broadcast_in_dim3A_116 = vector.broadcast %jit3A_115 : f32 to vector<80x128xf32>
      %select_n3A_117 = arith.select %eq3A_114, %broadcast_in_dim3A_116, %scan3A_91 : vector<80x128xi1>, vector<80x128xf32>
      scf.yield %select_n3A_117 : vector<80x128xf32>
    }
    %scan3A_30 = arith.constant 128 : i32
    %get3A_31 = arith.constant 0 : index
    %get3A_32 = arith.constant 0 : index
    %get3A_33 = vector.load %arg8[%get3A_31, %get3A_32] : memref<128x128xf32, #tpu.memory_space<vmem>>, vector<128x128xf32>
    %convert_element_type3A_34 = arith.truncf %get3A_33 : vector<128x128xf32> to vector<128x128xbf16>
    %get3A_35 = arith.constant 0 : index
    %get3A_36 = arith.constant 0 : index
    %get3A_37 = vector.load %arg2[%get3A_35, %get3A_36] : memref<128x384xf32, #tpu.memory_space<vmem>>, vector<128x384xf32>
    %convert_element_type3A_38 = arith.truncf %get3A_37 : vector<128x384xf32> to vector<128x384xbf16>
    %dot_general3A = arith.constant dense<0.000000e+00> : vector<128x384xf32>
    %dot_general3A_39 = tpu.matmul %convert_element_type3A_34, %convert_element_type3A_38, %dot_general3A {dimension_numbers = #tpu.dot_dimension_numbers<[1], [0], [0], [1], [0, 0, 1, 1], [], []>, transpose_lhs_hint = false} : vector<128x128xbf16>, vector<128x384xbf16>, vector<128x384xf32> -> vector<128x384xf32>
    %get3A_40 = arith.constant 0 : index
    %get3A_41 = arith.constant 0 : index
    %get3A_42 = vector.load %arg4[%get3A_40, %get3A_41] : memref<1x384xf32, #tpu.memory_space<vmem>>, vector<1x384xf32>
    %add3A_43 = vector.broadcast %get3A_42 : vector<1x384xf32> to vector<128x384xf32>
    %add3A_44 = arith.addf %dot_general3A_39, %add3A_43 : vector<128x384xf32>
    %get3A_45 = arith.constant 0 : index
    %get3A_46 = arith.constant 0 : index
    %get3A_47 = vector.load %arg6[%get3A_45, %get3A_46] : memref<128x128xf32, #tpu.memory_space<vmem>>, vector<128x128xf32>
    %convert_element_type3A_48 = arith.truncf %get3A_47 : vector<128x128xf32> to vector<128x128xbf16>
    %get3A_49 = arith.constant 0 : index
    %get3A_50 = arith.constant 0 : index
    %get3A_51 = vector.load %arg3[%get3A_49, %get3A_50] : memref<128x384xf32, #tpu.memory_space<vmem>>, vector<128x384xf32>
    %convert_element_type3A_52 = arith.truncf %get3A_51 : vector<128x384xf32> to vector<128x384xbf16>
    %dot_general3A_53 = arith.constant dense<0.000000e+00> : vector<128x384xf32>
    %dot_general3A_54 = tpu.matmul %convert_element_type3A_48, %convert_element_type3A_52, %dot_general3A_53 {dimension_numbers = #tpu.dot_dimension_numbers<[1], [0], [0], [1], [0, 0, 1, 1], [], []>, transpose_lhs_hint = false} : vector<128x128xbf16>, vector<128x384xbf16>, vector<128x384xf32> -> vector<128x384xf32>
    %get3A_55 = arith.constant 0 : index
    %get3A_56 = arith.constant 0 : index
    %get3A_57 = vector.load %arg5[%get3A_55, %get3A_56] : memref<1x384xf32, #tpu.memory_space<vmem>>, vector<1x384xf32>
    %add3A_58 = vector.broadcast %get3A_57 : vector<1x384xf32> to vector<128x384xf32>
    %add3A_59 = arith.addf %dot_general3A_54, %add3A_58 : vector<128x384xf32>
    %slice3A = vector.extract_strided_slice %add3A_44 {offsets = [0, 0], sizes = [128, 128], strides = [1, 1]} : vector<128x384xf32> to vector<128x128xf32>
    %slice3A_60 = vector.extract_strided_slice %add3A_59 {offsets = [0, 0], sizes = [128, 128], strides = [1, 1]} : vector<128x384xf32> to vector<128x128xf32>
    %add3A_61 = arith.addf %slice3A, %slice3A_60 : vector<128x128xf32>
    %logistic3A = arith.negf %add3A_61 : vector<128x128xf32>
    %logistic3A_62 = math.exp %logistic3A : vector<128x128xf32>
    %logistic3A_63 = arith.constant 1.000000e+00 : f32
    %logistic3A_64 = vector.broadcast %logistic3A_63 : f32 to vector<128x128xf32>
    %logistic3A_65 = arith.addf %logistic3A_64, %logistic3A_62 : vector<128x128xf32>
    %logistic3A_66 = arith.divf %logistic3A_64, %logistic3A_65 : vector<128x128xf32>
    %slice3A_67 = vector.extract_strided_slice %add3A_44 {offsets = [0, 128], sizes = [128, 128], strides = [1, 1]} : vector<128x384xf32> to vector<128x128xf32>
    %slice3A_68 = vector.extract_strided_slice %add3A_59 {offsets = [0, 128], sizes = [128, 128], strides = [1, 1]} : vector<128x384xf32> to vector<128x128xf32>
    %add3A_69 = arith.addf %slice3A_67, %slice3A_68 : vector<128x128xf32>
    %logistic3A_70 = arith.negf %add3A_69 : vector<128x128xf32>
    %logistic3A_71 = math.exp %logistic3A_70 : vector<128x128xf32>
    %logistic3A_72 = arith.constant 1.000000e+00 : f32
    %logistic3A_73 = vector.broadcast %logistic3A_72 : f32 to vector<128x128xf32>
    %logistic3A_74 = arith.addf %logistic3A_73, %logistic3A_71 : vector<128x128xf32>
    %logistic3A_75 = arith.divf %logistic3A_73, %logistic3A_74 : vector<128x128xf32>
    %slice3A_76 = vector.extract_strided_slice %add3A_44 {offsets = [0, 256], sizes = [128, 128], strides = [1, 1]} : vector<128x384xf32> to vector<128x128xf32>
    %slice3A_77 = vector.extract_strided_slice %add3A_59 {offsets = [0, 256], sizes = [128, 128], strides = [1, 1]} : vector<128x384xf32> to vector<128x128xf32>
    %mul3A_78 = arith.mulf %logistic3A_66, %slice3A_77 : vector<128x128xf32>
    %add3A_79 = arith.addf %slice3A_76, %mul3A_78 : vector<128x128xf32>
    %tanh3A = math.tanh %add3A_79 : vector<128x128xf32>
    %sub3A = arith.constant 1.000000e+00 : f32
    %sub3A_80 = vector.broadcast %sub3A : f32 to vector<128x128xf32>
    %sub3A_81 = arith.subf %sub3A_80, %logistic3A_75 : vector<128x128xf32>
    %mul3A_82 = arith.mulf %sub3A_81, %tanh3A : vector<128x128xf32>
    %get3A_83 = arith.constant 0 : index
    %get3A_84 = arith.constant 0 : index
    %get3A_85 = vector.load %arg6[%get3A_83, %get3A_84] : memref<128x128xf32, #tpu.memory_space<vmem>>, vector<128x128xf32>
    %mul3A_86 = arith.mulf %logistic3A_75, %get3A_85 : vector<128x128xf32>
    %add3A_87 = arith.addf %mul3A_82, %mul3A_86 : vector<128x128xf32>
    %swap3A = arith.constant 0 : index
    %swap3A_88 = arith.constant 0 : index
    %swap3A_89 = vector.load %arg7[%swap3A, %swap3A_88] : memref<128x128xf32, #tpu.memory_space<vmem>>, vector<128x128xf32>
    tpu.vector_store %arg7[%swap3A, %swap3A_88], %add3A_87 {strides = array<i32>} : memref<128x128xf32, #tpu.memory_space<vmem>>, vector<128x128xf32>,
    return
  }
}

module attributes {stable_mosaic.version = 14 : i64} {
  func.func @_final_body(%arg0: i32, %arg1: memref<2x128x128xf32, #tpu.memory_space<vmem>>, %arg2: memref<128x128xf32, #tpu.memory_space<vmem>>, %arg3: memref<128x128xf32, #tpu.memory_space<vmem>>, %arg4: memref<1x128xf32, #tpu.memory_space<vmem>>, %arg5: memref<128x128xf32, #tpu.memory_space<vmem>>) attributes {dimension_semantics = [#tpu.dimension_semantics<arbitrary>], iteration_bounds = array<i64: 80>, scalar_prefetch = 0 : i64, scratch_operands = 0 : i64, tpu.core_type = #tpu.core_type<tc>, window_params = [{transform_indices = @transform_0, window_bounds = array<i64: 2, 128, 128>}, {transform_indices = @transform_1, window_bounds = array<i64: 128, 128>}, {transform_indices = @transform_2, window_bounds = array<i64: 128, 128>}, {pipeline_mode = #tpu.pipeline_mode<synchronous>, transform_indices = @transform_3, window_bounds = array<i64: 1, 128>}, {transform_indices = @transform_4, window_bounds = array<i64: 128, 128>}]} {
    %get3A = arith.constant 0 : index
    %get3A_0 = arith.constant 0 : index
    %get3A_1 = arith.constant 0 : index
    %get3A_2 = vector.load %arg1[%get3A, %get3A_0, %get3A_1] : memref<2x128x128xf32, #tpu.memory_space<vmem>>, vector<1x128x128xf32>
    %get3A_3 = vector.shape_cast %get3A_2 : vector<1x128x128xf32> to vector<128x128xf32>
    %get3A_4 = arith.constant 1 : index
    %get3A_5 = arith.constant 0 : index
    %get3A_6 = arith.constant 0 : index
    %get3A_7 = vector.load %arg1[%get3A_4, %get3A_5, %get3A_6] : memref<2x128x128xf32, #tpu.memory_space<vmem>>, vector<1x128x128xf32>
    %get3A_8 = vector.shape_cast %get3A_7 : vector<1x128x128xf32> to vector<128x128xf32>
    %add3A = arith.addf %get3A_3, %get3A_8 : vector<128x128xf32>
    %get3A_9 = arith.constant 0 : index
    %get3A_10 = arith.constant 0 : index
    %get3A_11 = vector.load %arg3[%get3A_9, %get3A_10] : memref<128x128xf32, #tpu.memory_space<vmem>>, vector<128x128xf32>
    %mul3A = arith.mulf %get3A_11, %add3A : vector<128x128xf32>
    %mul3A_12 = arith.mulf %get3A_11, %get3A_11 : vector<128x128xf32>
    %get3A_13 = arith.constant 0 : index
    %get3A_14 = arith.constant 0 : index
    %get3A_15 = vector.load %arg2[%get3A_13, %get3A_14] : memref<128x128xf32, #tpu.memory_space<vmem>>, vector<128x128xf32>
    %mul3A_16 = arith.mulf %mul3A_12, %get3A_15 : vector<128x128xf32>
    %add3A_17 = arith.addf %mul3A, %mul3A_16 : vector<128x128xf32>
    %get3A_18 = arith.constant 0 : index
    %get3A_19 = arith.constant 0 : index
    %get3A_20 = vector.load %arg4[%get3A_18, %get3A_19] : memref<1x128xf32, #tpu.memory_space<vmem>>, vector<1x128xf32>
    %add3A_21 = vector.broadcast %get3A_20 : vector<1x128xf32> to vector<128x128xf32>
    %add3A_22 = arith.addf %add3A_17, %add3A_21 : vector<128x128xf32>
    %swap3A = arith.constant 0 : index
    %swap3A_23 = arith.constant 0 : index
    %swap3A_24 = vector.load %arg5[%swap3A, %swap3A_23] : memref<128x128xf32, #tpu.memory_space<vmem>>, vector<128x128xf32>
    tpu.vector_store %arg5[%swap3A, %swap3A_23], %add3A_22 {strides = array<i32>} : memref<128x128xf32, #tpu.memory_space<vmem>>, vector<128x128xf32>,
    return
  }
  func.func @transform_0(%arg0: i32) -> (i32, i32, i32) {
    %c0_i32 = arith.constant 0 : i32
    %c0_i32_0 = arith.constant 0 : i32
    %c0_i32_1 = arith.constant 0 : i32
    return %c0_i32, %arg0, %c0_i32_0 : i32, i32, i32
  }
  func.func @transform_1(%arg0: i32) -> (i32, i32) {
    %c0_i32 = arith.constant 0 : i32
    %c0_i32_0 = arith.constant 0 : i32
    return %arg0, %c0_i32 : i32, i32
  }
  func.func @transform_2(%arg0: i32) -> (i32, i32) {
    %c0_i32 = arith.constant 0 : i32
    %c0_i32_0 = arith.constant 0 : i32
    return %arg0, %c0_i32 : i32, i32
  }
  func.func @transform_3(%arg0: i32) -> (i32, i32) {
    %c0_i32 = arith.constant 0 : i32
    %c0_i32_0 = arith.constant 0 : i32
    %c0_i32_1 = arith.constant 0 : i32
    return %c0_i32, %c0_i32_0 : i32, i32
  }
  func.func @transform_4(%arg0: i32) -> (i32, i32) {
    %c0_i32 = arith.constant 0 : i32
    %c0_i32_0 = arith.constant 0 : i32
    return %arg0, %c0_i32 : i32, i32
  }
}

</mosaic_0001>

<sc_bundles>
// kernel: kernel.10.cloned.1.call-start
scs
__scs_entry_jumppad:
0x0: {  	(pc) =	sbr.rel $0x88, $3  }
0x1: {  	(tag) =	ssettag $0x0;
	lr =	simm.s32 $0x1  }
0x2: {  	[smem:$0x3F98] =	sst lr;
	_ =	strace $0xD0000000  }
0x3: {  	_ = 	snop  }
0x4: {  	_ = 	snop  }
0x5: {  	_ = 	snop  }
0x6: {  	_ = 	snop  }
0x7: {  	_ = 	snop  }
__scs_overlays_trampoline_lowered:
0x8: {  	[smem:$0x3FA7] =	sst s0  }
0x9: {  	[smem:$0x3FA8] =	sst s1  }
0xa: {  	[smem:$0x3FA9] =	sst s2  }
0xb: {  	[smem:$0x3FAA] =	sst s3  }
0xc: {  	[smem:$0x3FAB] =	sst s4  }
0xd: {  	[smem:$0x3FAC] =	sst s5  }
0xe: {  	[smem:$0x3FAD] =	sst s6  }
0xf: {  	[smem:$0x3FAE] =	sst s7  }
0x10: {  	[smem:$0x3FAF] =	sst s8  }
0x11: {  	[smem:$0x3FB0] =	sst s9;
	s0 =	simm.s32 @!p0 $0x0  }
0x12: {  	s1 =	sld [smem:$0x3F96];
	s0 =	simm.s32 @p0 $0x1  }
0x13: {  	[smem:$0x3FB1] =	sst s0;
	s0 =	simm.s32 @!p1 $0x0  }
0x14: {  	s2 =	sld [smem:$0x3F95];
	s0 =	simm.s32 @p1 $0x1  }
0x15: {  	[smem:$0x3FB2] =	sst s0;
	s0 =	simm.s32 @!p2 $0x0  }
0x16: {  	s3 =	sld [smem:$0x3FDB];
	s0 =	simm.s32 @p2 $0x1  }
0x17: {  	s4 =	simm.s32 $0x1BF5;
	[smem:$0x3FB4] =	sst s0  }
0x18: {  	s0 =	sld [smem:$0x3F97];
	_ =	swait.ge [sflag:s4], $0x0  }
0x19: {  	s7 =	sld [smem:$0x3F98]  }
0x1a: {  	s8 =	sadd.s32 $0xFFFFE003, lr  }
0x1b: {  	s9 =	sadd.s32 $0xFFFFFEF7, lr;
	s5 =	simm.s32 $0xFFFFFFFF;
	p2 =	slt.u32 s8, $0xFFFFF086  }
0x1c: {  	p1 =	slt.u32 s9, $0xF7A;
	s5 =	simm.s32 @!p2 $0x0  }
0x1d: {  	s5 =	simm.s32 @p1 $0x1;
	p0 =	seq.s32 s7, s2  }
0x1e: {  	s7 =	smul.u32 @!p0 $0xF7A, s2;
	p2 =	seq.s32 @!p0 s5, $0x0  }
0x1f: {  	s9 =	smul.u32 $0xF7A, s1;
	s8 =	simm.s32 @!p0 $0x1BF5;
	p2 =	por !p2, p0  }
0x20: {  	[sflag:s8] =	ssyncset.s32 @!p0 $0xFFFFF086;
	s6 =	sadd.s32 @!p0 s3, s7;
	s7 =	simm.s32 @!p0 $0x108  }
0x21: {  	s3 =	sadd.s32 s3, s9;
	s6 =	sadd.s32 @!p0 $0x88, s6;
	s7 =	simm.s32 @p2 $0x1082  }
0x22: {  	[simem:s7], [sflag:s8] =	dma.local @!p0 [hbm:s6], $0xF7A  }
0x23: {  	s9 =	sor.u32 $0xD0000000, s2;
	s6 =	simm.s32 $0x108;
	_ =	swait.ge @!p0 [sflag:s8], $0x0  }
0x24: {  	s3 =	sadd.s32 $0x88, s3;
	s6 =	simm.s32 @!p1 $0x1082;
	[sflag:s4] =	ssyncset.s32 $0xFFFFF086  }
0x25: {  	[simem:s6], [sflag:s4] =	dma.local [hbm:s3], $0xF7A  }
0x26: {  	[smem:$0x3F98] =	sst s1;
	(tag) =	ssettag s2;
	_ =	strace s9  }
0x27: {  	s1 =	sld [smem:$0x3FA8]  }
0x28: {  	s2 =	sld [smem:$0x3FA9]  }
0x29: {  	s4 =	sld [smem:$0x3FAB]  }
0x2a: {  	p0 =	seq.s32 s5, $0x0;
	s5 =	sld [smem:$0x3FAC]  }
0x2b: {  	s6 =	sld [smem:$0x3FAD]  }
0x2c: {  	s7 =	sld [smem:$0x3FAE]  }
0x2d: {  	s3 =	simm.s32 $0x108;
	s8 =	sld [smem:$0x3FAF]  }
0x2e: {  	s3 =	simm.s32 @!p0 $0x1082;
	s9 =	sld [smem:$0x3FB0]  }
0x2f: {  	lr =	sadd.s32 s0, s3;
	s0 =	sld [smem:$0x3FA7]  }
0x30: {  	s3 =	sld [smem:$0x3FAA]  }
0x31: {  	[smem:$0x3FB3] =	sst s10  }
0x32: {  	s10 =	sld [smem:$0x3FB1];
	_ =	sdelay $0x3  }
0x33: {  	p0 =	seq.s32 s10, $0x1;
	s10 =	sld [smem:$0x3FB3];
	_ =	sdelay $0x3  }
0x34: {  	[smem:$0x3FB3] =	sst s10  }
0x35: {  	s10 =	sld [smem:$0x3FB2];
	_ =	sdelay $0x3  }
0x36: {  	p1 =	seq.s32 s10, $0x1;
	s10 =	sld [smem:$0x3FB3];
	_ =	sdelay $0x3  }
0x37: {  	[smem:$0x3FB3] =	sst s10  }
0x38: {  	s10 =	sld [smem:$0x3FB4]  }
0x39: {  	_ = 	snop;
	(pc) =	sbr.ind lr, $3  }
0x3a: {  	_ = 	snop  }
0x3b: {  	_ = 	snop  }
0x3c: {  	p2 =	seq.s32 s10, $0x1;
	s10 =	sld [smem:$0x3FB3]  }
0x3d: {  	_ =	shalt  }
0x3e: {  	_ =	shalt  }
0x3f: {  	_ =	shalt  }
0x40: {  	_ =	shalt  }
0x41: {  	_ =	shalt  }
0x42: {  	_ =	shalt  }
0x43: {  	_ =	shalt  }
0x44: {  	_ =	shalt  }
0x45: {  	_ =	shalt  }
0x46: {  	_ =	shalt  }
0x47: {  	_ =	shalt  }
0x48: {  	_ =	shalt  }
0x49: {  	_ =	shalt  }
0x4a: {  	_ =	shalt  }
0x4b: {  	_ =	shalt  }
0x4c: {  	_ =	shalt  }
0x4d: {  	_ =	shalt  }
0x4e: {  	_ =	shalt  }
0x4f: {  	_ =	shalt  }
0x50: {  	_ =	shalt  }
0x51: {  	_ =	shalt  }
0x52: {  	_ =	shalt  }
0x53: {  	_ =	shalt  }
0x54: {  	_ =	shalt  }
0x55: {  	_ =	shalt  }
0x56: {  	_ =	shalt  }
0x57: {  	_ =	shalt  }
0x58: {  	_ =	shalt  }
0x59: {  	_ =	shalt  }
0x5a: {  	_ =	shalt  }
0x5b: {  	_ =	shalt  }
0x5c: {  	_ =	shalt  }
0x5d: {  	_ =	shalt  }
0x5e: {  	_ =	shalt  }
0x5f: {  	_ =	shalt  }
0x60: {  	_ =	shalt  }
0x61: {  	_ =	shalt  }
0x62: {  	_ =	shalt  }
0x63: {  	_ =	shalt  }
0x64: {  	_ =	shalt  }
0x65: {  	_ =	shalt  }
0x66: {  	_ =	shalt  }
0x67: {  	_ =	shalt  }
0x68: {  	_ =	shalt  }
0x69: {  	_ =	shalt  }
0x6a: {  	_ =	shalt  }
0x6b: {  	_ =	shalt  }
0x6c: {  	_ =	shalt  }
0x6d: {  	_ =	shalt  }
0x6e: {  	_ =	shalt  }
0x6f: {  	_ =	shalt  }
0x70: {  	_ =	shalt  }
0x71: {  	_ =	shalt  }
0x72: {  	_ =	shalt  }
0x73: {  	_ =	shalt  }
0x74: {  	_ =	shalt  }
0x75: {  	_ =	shalt  }
0x76: {  	_ =	shalt  }
0x77: {  	_ =	shalt  }
0x78: {  	_ =	shalt  }
0x79: {  	_ =	shalt  }
0x7a: {  	_ =	shalt  }
0x7b: {  	_ =	shalt  }
0x7c: {  	_ =	shalt  }
0x7d: {  	_ =	shalt  }
0x7e: {  	_ =	shalt  }
0x7f: {  	_ =	shalt  }
0x80: {  	_ =	shalt  }
0x81: {  	_ =	shalt  }
0x82: {  	_ =	shalt  }
0x83: {  	_ =	shalt  }
0x84: {  	_ =	shalt  }
0x85: {  	_ =	shalt  }
0x86: {  	_ =	shalt  }
0x87: {  	_ =	shalt  }
.Lfunc_end0:
.L_simem_size_0:
called_computation.1_lowered:
.L_overlay_start_0:
0x88: {  	s2 =	sld [smem:$0x3FD9]  }
0x89: {  	s3 =	sld [smem:$0x3FFE];
	_ =	sdelay $0x1  }
0x8a: {  	s1 =	srdreg.scid  }
0x8b: {  	s0 =	sand.u32 $0x1, s1  }
0x8c: {  	s17 =	sshll.u32 s0, $0xA;
	s2 =	sadd.s32 s3, s2  }
0x8d: {  	s2 =	sadd.s32 s2, s17  }
0x8e: {  	[smem:$0x3FBF] =	sst s2  }
0x8f: {  	_ = 	snop  }
0x90: {  	s2 =	sld [smem:$0x3FD0];
	(tm) =	ssettm $0x1  }
0x91: {  	s18 =	sld [smem:$0x3FFB];
	_ =	sdelay $0x3  }
0x92: {  	_ =	strace s18  }
0x93: {  	s3 =	sld [smem:$0x3FFC];
	_ =	sdelay $0x3  }
0x94: {  	_ =	strace s3  }
0x95: {  	s3 =	sld [smem:$0x3FFD];
	_ =	sdelay $0x3  }
0x96: {  	_ =	strace s3  }
0x97: {  	_ =	strace $0x8FFFFFFF  }
0x98: {  	s19 =	sld [smem:$0x3FDB];
	_ =	sdelay $0x1  }
0x99: {  	s4 =	simm.s32 $_scs_section_size  }
0x9a: {  	s5 =	simm.s32 $_size__tile_overlayer_lowered;
	s6 =	simm.s32 $_tile_overlayer_lowered  }
0x9b: {  	s22 =	simm.s32 $0x1BFF;
	s21 =	sshll.u32 s6, $0x1;
	s3 =	sadd.s32 s4, s19  }
0x9c: {  	s7 =	simm.s32 $0x0;
	s20 =	sshll.u32 s5, $0x1;
	s5 =	sadd.s32 s21, s3  }
0x9d: {  	[timem:s7], [sflag:s22] =	dma.local [hbm:s5], s20  }
0x9e: {  	_ =	swait.ge [sflag:s22], s20  }
0x9f: {  	s4 =	ssub.s32 $0x0, s20;
	[sflag:s22] =	ssyncset.done $0x0  }
0xa0: {  	[sflag:s22] =	ssyncadd.s32 s4;
	_ =	sdelay $0x1  }
0xa1: {  	s23 =	simm.s32 $0x1B8B  }
0xa2: {  	_ =	swait.ge [sflag:s23], $0x1  }
0xa3: {  	[sflag:s23] =	ssyncset.done $0x0  }
0xa4: {  	s25 =	simm.s32 $0x1B8E;
	s24 =	sld [smem:$0x3FFE];
	[sflag:s23] =	ssyncadd.s32 $0xFFFFFFFF  }
0xa5: {  	s26 =	simm.s32 $execute0_lowered;
	[smem:$0x3FD2] =	sst s25  }
0xa6: {  	s5 =	sshll.u32 s26, $0x1;
	_ =	strace $0x80000049;
	[dreg:$0x1] =	wrdreg $0xFFFFFFFF  }
0xa7: {  	s28 =	simm.s32 $_size_execute0_lowered;
	s3 =	sadd.s32 s3, s5;
	[dreg:$0x0] =	wrdreg $0x0  }
0xa8: {  	s5 =	sshll.u32 s28, $0x1;
	[dreg:$0x2] =	wrdreg s3  }
0xa9: {  	[dreg:$0x3] =	wrdreg s5  }
0xaa: {  	[dreg:$0x4] =	wrdreg $0xC0  }
0xab: {  	_ =	task [dreg:s7], $0x5FFFF  }
0xac: {  	[dreg:$0x1] =	wrdreg $0xFFFFFFFF  }
0xad: {  	[dreg:$0x0] =	wrdreg $0x60  }
0xae: {  	[dreg:$0x2] =	wrdreg s24  }
0xaf: {  	[dreg:$0x3] =	wrdreg s2  }
0xb0: {  	[dreg:$0x4] =	wrdreg $0x80000  }
0xb1: {  	[dreg:$0x5] =	wrdreg $0x9  }
0xb2: {  	_ =	task.clear_ibuf [dreg:s7], $0x6FFFF;
	_ =	strace $0x90000049  }
0xb3: {  	s29 =	simm.s32 $0x9;
	_ =	strace $0x8000004B  }
0xb4: {  	_ =	swait.ge [sflag:s29], $0x1  }
0xb5: {  	[sflag:s29] =	ssyncadd.s32 $0xFFFFFFFF  }
0xb6: {  	_ =	strace $0x9000004B  }
0xb7: {  	_ =	sfence  }
0xb8: {  	s30 =	sld [smem:$0x0];
	_ =	sdelay $0x2  }
0xb9: {  	s31 =	sshll.u32 s1, $0xD;
	s1 =	sshrl.u32 s1, $0x2  }
0xba: {  	s3 =	sand.u32 $0x4000, s31;
	s1 =	sadd.s32 s1, s30  }
0xbb: {  	s0 =	sor.u32 s3, s0;
	s1 =	sshll.u32 s1, $0x11  }
0xbc: {  	s0 =	sor.u32 s1, s0  }
0xbd: {  	s0 =	sadd.s32 $0x8F2B, s0  }
0xbe: {  	[sflag:s0] =	ssyncadd.remote.s32 $0x1  }
0xbf: {  	_ =	sfence.sel $0xFFFF  }
0xc0: {  	[dreg:$0x0] =	wrdreg $0xFFFFFFFF;
	(pc) =	sbr.abs _section_cstart, $3  }
0xc1: {  	[dreg:$0x1] =	wrdreg $0xFFFFFFFF  }
0xc2: {  	_ =	task.clear_ibuf [dreg:s7], $0x2FFFF;
	_ =	strace $0x9FFFFFFF  }
0xc3: {  	(tm) =	ssettm $0x7FFFFFFF  }
tec
execute0_lowered:
.L_overlay_start_1:
0x0: {  	(tag) =	ssettag $0x1  }
0x1: {  	s5 =	rddreg [dreg:$0x0]  }
0x2: {  	s6 =	rddreg [dreg:$0x1]  }
0x3: {  	s2 =	rddreg [dreg:$0x2]  }
0x4: {  	s0 =	rddreg [dreg:$0x3]  }
0x5: {  	s3 =	srdreg.scid;
	s1 =	stileid.u32  }
0x6: {  	s19 =	simm.s32 $0x80;
	s20 =	simm.s32 $0x400;
	s21 =	simm.s32 $0x3  }
0x7: {  	s22 =	simm.s32 $0x2800;
	s23 =	simm.s32 $0x6000;
	s24 =	simm.s32 $0x5000  }
0x8: {  	s28 =	simm.s32 $0x2;
	s29 =	simm.s32 $0x0;
	s10 =	smul.u32 $0x14000, s1  }
0x9: {  	s7 =	sand.u32 $0x1, s3;
	s25 =	sshrl.u32 s1, $0x2;
	s30 =	smul.u32 $0x50000, s1  }
0xa: {  	s4 =	sshll.u32 s1, $0x8;
	s3 =	simm.s32 $0x0;
	s8 =	smul.u32 $0x14000, s25  }
0xb: {  	s9 =	sshll.u32 s7, $0x7;
	s4 =	sand.u32 $0x300, s4;
	s26 =	smul.u32 $0x140000, s7  }
0xc: {  	[smem:$0x7FF] =	sst s3;
	s7 =	ssub.s32 $0x2, s7;
	s25 =	simm.s32 $0x5800  }
0xd: {  	s4 =	sor.u32 s9, s4;
	_ =	strace $0x8000004A;
	s12 =	sshrl.u32 s7, $0x1  }
0xe: {  	s31 =	sshrl.u32 s30, $0x2;
	s8 =	sor.u32 s8, s4;
	s4 =	sadd.s32 $0x1A00, s5  }
0xf: {  	s9 =	sadd.s32 s10, s26;
	s18 =	ssub.s32 s7, s12;
	s7 =	sadd.s32 s31, s2  }
0x10: {  	s26 =	simm.s32 $0x1;
	s8 =	sshrl.u32 s8, $0x3;
	s9 =	sshrl.u32 s9, $0x3  }
0x11: {  	s10 =	sadd.s32 $0x6000, s7;
	s12 =	sadd.s32 $0xA000, s7;
	s13 =	sadd.s32 $0xC000, s7  }
0x12: {  	s14 =	sadd.s32 $0xE000, s7;
	s15 =	sadd.s32 $0x10000, s7;
	s16 =	sadd.s32 $0x12000, s7  }
0x13: {  	s18 =	smax.u32 s18, $0x1;
	s11 =	sadd.s32 s8, s5;
	s17 =	sadd.s32 s9, s5  }
0x14: {  	s6 =	sadd.s32 s6, s8;
	s8 =	sadd.s32 $0x2000, s7;
	s9 =	sadd.s32 $0x4000, s7  }
0x15: {  	v0 =	vimm.f32 $0.0e+00;
	vm0 =	vmmov $0xffff;
	s5 =	sadd.s32 $0x51A00, s11;
	s11 =	sadd.s32 $0x8000, s7;
	s17 =	sadd.s32 $0x5BA00, s17  }
.LBB2_1:
0x16: {  	[tilespmem:s3], [sflag:$0x3] =	stream.strided.gather [hbm4b:s5+s19], $0x2800, s20, s19, $0x38;
	[tilespmem:$0x1C000] =	vst v63  }
0x17: {  	_ =	swait.ge [sflag:s21], $0x2800  }
0x18: {  	[sflag:s21] =	ssyncset.done $0x0  }
0x19: {  	[sflag:s21] =	ssyncadd.s32 $0xFFFFD800  }
0x1a: {  	[tilespmem:s22], [sflag:$0x3] =	stream.strided.gather [hbm4b:s6+s19], $0x2800, s20, s19, $0x38;
	[tilespmem:$0x1C000] =	vst v63  }
0x1b: {  	_ =	swait.ge [sflag:s21], $0x2800  }
0x1c: {  	[sflag:s21] =	ssyncset.done $0x0  }
0x1d: {  	s30 =	simm.s32 $0x0;
	s31 =	simm.s32 $0x200;
	[sflag:s21] =	ssyncadd.s32 $0xFFFFD800  }
.LBB2_2:
0x1e: {  	p0 =	sne.s32 s31, $0x7E00;
	[tilespmem:s30+$0x6070] =	vst v0  }
0x1f: {  	[tilespmem:s30+$0x6000] =	vst v0  }
0x20: {  	[tilespmem:s30+$0x6010] =	vst v0  }
.Ltmp0:
0x21: {  	[tilespmem:s30+$0x6020] =	vst v0;
	(pc) =	sbr.rel @p0 .LBB2_2-.Ltmp0, $4  }
0x22: {  	[tilespmem:s30+$0x6030] =	vst v0  }
0x23: {  	[tilespmem:s30+$0x6040] =	vst v0  }
0x24: {  	[tilespmem:s30+$0x6050] =	vst v0  }
0x25: {  	[tilespmem:s30+$0x6060] =	vst v0;
	s30 =	sshra.s32 s31, $0x2;
	s31 =	sadd.s32 $0x200, s31  }
0x26: {  	[tilespmem:s30+$0x6070] =	vst v0  }
0x27: {  	[tilespmem:s30+$0x6000] =	vst v0  }
0x28: {  	[tilespmem:s30+$0x6010] =	vst v0  }
0x29: {  	[tilespmem:s30+$0x6020] =	vst v0  }
0x2a: {  	[tilespmem:s30+$0x6030] =	vst v0  }
0x2b: {  	[tilespmem:s30+$0x6040] =	vst v0  }
0x2c: {  	[tilespmem:s30+$0x6050] =	vst v0  }
0x2d: {  	[tilespmem:s30+$0x6060] =	vst v0  }
0x2e: {  	[spmem:s7] =	stream.linear.scatter [tilespmem:s23], [sflag:$0x3], $0x2000, $0x38;
	[tilespmem:$0x1C000] =	vst v63  }
0x2f: {  	_ =	swait.ge [sflag:s21], $0x2000  }
0x30: {  	[sflag:s21] =	ssyncset.done $0x0  }
0x31: {  	[sflag:s21] =	ssyncadd.s32 $0xFFFFE000  }
0x32: {  	[spmem:s8] =	stream.linear.scatter [tilespmem:s23], [sflag:$0x3], $0x2000, $0x38;
	[tilespmem:$0x1C000] =	vst v63  }
0x33: {  	_ =	swait.ge [sflag:s21], $0x2000  }
0x34: {  	[sflag:s21] =	ssyncset.done $0x0  }
0x35: {  	[sflag:s21] =	ssyncadd.s32 $0xFFFFE000  }
0x36: {  	[spmem:s9] =	stream.linear.scatter [tilespmem:s23], [sflag:$0x3], $0x2000, $0x38;
	[tilespmem:$0x1C000] =	vst v63  }
0x37: {  	_ =	swait.ge [sflag:s21], $0x2000  }
0x38: {  	[sflag:s21] =	ssyncset.done $0x0  }
0x39: {  	[sflag:s21] =	ssyncadd.s32 $0xFFFFE000  }
0x3a: {  	[spmem:s10] =	stream.linear.scatter [tilespmem:s23], [sflag:$0x3], $0x2000, $0x38;
	[tilespmem:$0x1C000] =	vst v63  }
0x3b: {  	_ =	swait.ge [sflag:s21], $0x2000  }
0x3c: {  	[sflag:s21] =	ssyncset.done $0x0  }
0x3d: {  	[sflag:s21] =	ssyncadd.s32 $0xFFFFE000  }
0x3e: {  	[spmem:s11] =	stream.linear.scatter [tilespmem:s23], [sflag:$0x3], $0x2000, $0x38;
	[tilespmem:$0x1C000] =	vst v63  }
0x3f: {  	_ =	swait.ge [sflag:s21], $0x2000  }
0x40: {  	[sflag:s21] =	ssyncset.done $0x0  }
0x41: {  	[sflag:s21] =	ssyncadd.s32 $0xFFFFE000  }
0x42: {  	[spmem:s12] =	stream.linear.scatter [tilespmem:s23], [sflag:$0x3], $0x2000, $0x38;
	[tilespmem:$0x1C000] =	vst v63  }
0x43: {  	_ =	swait.ge [sflag:s21], $0x2000  }
0x44: {  	[sflag:s21] =	ssyncset.done $0x0  }
0x45: {  	[sflag:s21] =	ssyncadd.s32 $0xFFFFE000  }
0x46: {  	[spmem:s13] =	stream.linear.scatter [tilespmem:s23], [sflag:$0x3], $0x2000, $0x38;
	[tilespmem:$0x1C000] =	vst v63  }
0x47: {  	_ =	swait.ge [sflag:s21], $0x2000  }
0x48: {  	[sflag:s21] =	ssyncset.done $0x0  }
0x49: {  	[sflag:s21] =	ssyncadd.s32 $0xFFFFE000  }
0x4a: {  	[spmem:s14] =	stream.linear.scatter [tilespmem:s23], [sflag:$0x3], $0x2000, $0x38;
	[tilespmem:$0x1C000] =	vst v63  }
0x4b: {  	_ =	swait.ge [sflag:s21], $0x2000  }
0x4c: {  	[sflag:s21] =	ssyncset.done $0x0  }
0x4d: {  	[sflag:s21] =	ssyncadd.s32 $0xFFFFE000  }
0x4e: {  	[spmem:s15] =	stream.linear.scatter [tilespmem:s23], [sflag:$0x3], $0x2000, $0x38;
	[tilespmem:$0x1C000] =	vst v63  }
0x4f: {  	_ =	swait.ge [sflag:s21], $0x2000  }
0x50: {  	[sflag:s21] =	ssyncset.done $0x0  }
0x51: {  	[sflag:s21] =	ssyncadd.s32 $0xFFFFE000  }
0x52: {  	[spmem:s16] =	stream.linear.scatter [tilespmem:s23], [sflag:$0x3], $0x2000, $0x38;
	[tilespmem:$0x1C000] =	vst v63  }
0x53: {  	_ =	swait.ge [sflag:s21], $0x2000  }
0x54: {  	[sflag:s21] =	ssyncset.done $0x0  }
0x55: {  	[sflag:s21] =	ssyncadd.s32 $0xFFFFE000  }
0x56: {  	[bflag:$0x0] =	sbarrier.arrive $0xFFFF  }
0x57: {  	v1 =	vld [tilespmem:$0x0];
	_ =	sdelay $0x6  }
0x58: {  	s30 =	simm.s32 $0x0  }
0x59: {  	[tilespmem:s24], [sflag:$0x1] =	stream.indirect_vreg.gather [hbm4b:s4+s30], $0x80, v1, vm0, $0xb8;
	[tilespmem:$0x1C000] =	vst v63  }
0x5a: {  	v1 =	vld [tilespmem:$0x10];
	_ =	sdelay $0x7  }
0x5b: {  	[tilespmem:s25], [sflag:$0x2] =	stream.indirect_vreg.gather [hbm4b:s4+s30], $0x80, v1, vm0, $0xb8;
	[tilespmem:$0x1C000] =	vst v63  }
.LBB2_4:
0x5c: {  	_ =	swait.ge [sflag:s26], $0x800  }
0x5d: {  	[sflag:s26] =	ssyncset.done $0x0  }
0x5e: {  	s31 =	sshra.s32 s30, $0x2;
	[sflag:s26] =	ssyncadd.s32 $0xFFFFF800  }
0x5f: {  	v1 =	vld [tilespmem:s31+$0x2800];
	_ =	sdelay $0x7  }
0x60: {  	[spmem:s2] =	stream.indirect_vreg.scatter.add.f32 [tilespmem:s24], [sflag:$0x3], $0x80, v1, vm0, $0xb8;
	[tilespmem:$0x1C000] =	vst v63  }
0x61: {  	_ =	swait.ge [sflag:s21], $0x800  }
0x62: {  	[sflag:s21] =	ssyncset.done $0x0  }
0x63: {  	[sflag:s21] =	ssyncadd.s32 $0xFFFFF800  }
0x64: {  	v1 =	vld [tilespmem:s31+$0x20];
	_ =	sdelay $0x7  }
0x65: {  	[tilespmem:s24], [sflag:$0x1] =	stream.indirect_vreg.gather [hbm4b:s4+s3], $0x80, v1, vm0, $0xb8;
	[tilespmem:$0x1C000] =	vst v63  }
0x66: {  	_ =	swait.ge [sflag:s28], $0x800  }
0x67: {  	[sflag:s28] =	ssyncset.done $0x0  }
0x68: {  	[sflag:s28] =	ssyncadd.s32 $0xFFFFF800  }
0x69: {  	v1 =	vld [tilespmem:s31+$0x2810];
	_ =	sdelay $0x7  }
0x6a: {  	[spmem:s2] =	stream.indirect_vreg.scatter.add.f32 [tilespmem:s25], [sflag:$0x3], $0x80, v1, vm0, $0xb8;
	[tilespmem:$0x1C000] =	vst v63  }
0x6b: {  	_ =	swait.ge [sflag:s21], $0x800  }
0x6c: {  	[sflag:s21] =	ssyncset.done $0x0  }
0x6d: {  	[sflag:s21] =	ssyncadd.s32 $0xFFFFF800  }
0x6e: {  	v1 =	vld [tilespmem:s31+$0x30];
	_ =	sdelay $0x2  }
0x6f: {  	p0 =	sne.s32 s30, $0x9F00  }
.Ltmp1:
0x70: {  	_ = 	snop;
	(pc) =	sbr.rel @p0 .LBB2_4-.Ltmp1, $3  }
0x71: {  	_ =	sdelay $0x1  }
0x72: {  	s30 =	sadd.s32 $0x80, s30  }
0x73: {  	[tilespmem:s25], [sflag:$0x2] =	stream.indirect_vreg.gather [hbm4b:s4+s3], $0x80, v1, vm0, $0xb8;
	[tilespmem:$0x1C000] =	vst v63  }
0x74: {  	_ =	swait.ge [sflag:s26], $0x800  }
0x75: {  	[sflag:s26] =	ssyncset.done $0x0  }
0x76: {  	[sflag:s26] =	ssyncadd.s32 $0xFFFFF800  }
0x77: {  	v1 =	vld [tilespmem:$0x4FE0];
	_ =	sdelay $0x7  }
0x78: {  	[spmem:s2] =	stream.indirect_vreg.scatter.add.f32 [tilespmem:s24], [sflag:$0x3], $0x80, v1, vm0, $0xb8;
	[tilespmem:$0x1C000] =	vst v63  }
0x79: {  	_ =	swait.ge [sflag:s21], $0x800  }
0x7a: {  	[sflag:s21] =	ssyncset.done $0x0  }
0x7b: {  	[sflag:s21] =	ssyncadd.s32 $0xFFFFF800  }
0x7c: {  	_ =	swait.ge [sflag:s28], $0x800  }
0x7d: {  	[sflag:s28] =	ssyncset.done $0x0  }
0x7e: {  	[sflag:s28] =	ssyncadd.s32 $0xFFFFF800  }
0x7f: {  	v1 =	vld [tilespmem:$0x4FF0];
	_ =	sdelay $0x7  }
0x80: {  	[spmem:s2] =	stream.indirect_vreg.scatter.add.f32 [tilespmem:s25], [sflag:$0x3], $0x80, v1, vm0, $0xb8;
	[tilespmem:$0x1C000] =	vst v63  }
0x81: {  	_ =	swait.ge [sflag:s21], $0x800  }
0x82: {  	s30 =	sshll.u32 s1, $0x6;
	s29 =	sadd.s32 $0x1, s29;
	[sflag:s21] =	ssyncset.done $0x0  }
0x83: {  	s31 =	sshrl.u32 s7, $0x3;
	p0 =	sne.s32 s29, s18;
	[sflag:s21] =	ssyncadd.s32 $0xFFFFF800  }
.Ltmp2:
0x84: {  	s30 =	sor.u32 $0x1C03, s30;
	[bflag:$0x0] =	sbarrier.arrive $0xFFFF;
	(pc) =	sbr.rel @p0 .LBB2_1-.Ltmp2, $4  }
0x85: {  	[hbm:s17], [sflag:s30] =	dma.local [spmem:s31], $0x2800  }
0x86: {  	_ =	swait.ge [sflag:s21], $0x2800  }
0x87: {  	[sflag:s21] =	ssyncset.done $0x0  }
0x88: {  	[sflag:s21] =	ssyncadd.s32 $0xFFFFD800  }
0x89: {  	_ =	sfence.sel $0x180000  }
0x8a: {  	[bflag:$0x0] =	sbarrier.arrive $0xFFFF  }
0x8b: {  	p0 =	sne.s32 s1, $0x0;
	_ =	strace $0x9000004A  }
0x8c: {  	s0 =	sadd.s32 @!p0 $0x100000, s0;
	[bflag:$0x2] =	sbarrier.arrive $0xFFFF  }
0x8d: {  	[sflag:s0] =	ssyncadd.tile.s32 @!p0 $0x1;
	_ =	shalt  }
.Lfunc_end2:
_tile_overlayer_lowered:
.L_overlay_start_2:
0x8e: {  	(tag) =	ssettag $0x2  }
0x8f: {  	s0 =	rddreg [dreg:$0x0];
	s2 =	stileid.u32  }
0x90: {  	s1 =	rddreg [dreg:$0x1];
	p0 =	sne.s32 s2, $0x0  }
0x91: {  	s3 =	rddreg [dreg:$0x2];
	[bflag:$0x3] =	sbarrier.arrive $0xFFFF;
	s2 =	simm.s32 @!p0 $0x1C03  }
0x92: {  	[timem:s3], [sflag:s2] =	dma.local @!p0 [hbm:s0], s1  }
0x93: {  	s0 =	simm.s32 @!p0 $0x3  }
0x94: {  	_ =	swait.ge @!p0 [sflag:s0], s1  }
0x95: {  	s1 =	ssub.s32 @!p0 $0x0, s1;
	[sflag:s0] =	ssyncset.done @!p0 $0x0  }
0x96: {  	[sflag:s0] =	ssyncadd.s32 @!p0 s1  }
0x97: {  	[bflag:$0x3] =	sbarrier.arrive $0xFFFF  }
0x98: {  	_ =	shalt  }

// kernel: kernel.7.cloned.1.call-start
scs
__scs_entry_jumppad:
0x0: {  	(pc) =	sbr.rel $0x88, $3  }
0x1: {  	(tag) =	ssettag $0x0;
	lr =	simm.s32 $0x1  }
0x2: {  	[smem:$0x3F98] =	sst lr;
	_ =	strace $0xD0000000  }
0x3: {  	_ = 	snop  }
0x4: {  	_ = 	snop  }
0x5: {  	_ = 	snop  }
0x6: {  	_ = 	snop  }
0x7: {  	_ = 	snop  }
__scs_overlays_trampoline_lowered:
0x8: {  	[smem:$0x3FA7] =	sst s0  }
0x9: {  	[smem:$0x3FA8] =	sst s1  }
0xa: {  	[smem:$0x3FA9] =	sst s2  }
0xb: {  	[smem:$0x3FAA] =	sst s3  }
0xc: {  	[smem:$0x3FAB] =	sst s4  }
0xd: {  	[smem:$0x3FAC] =	sst s5  }
0xe: {  	[smem:$0x3FAD] =	sst s6  }
0xf: {  	[smem:$0x3FAE] =	sst s7  }
0x10: {  	[smem:$0x3FAF] =	sst s8  }
0x11: {  	[smem:$0x3FB0] =	sst s9;
	s0 =	simm.s32 @!p0 $0x0  }
0x12: {  	s1 =	sld [smem:$0x3F96];
	s0 =	simm.s32 @p0 $0x1  }
0x13: {  	[smem:$0x3FB1] =	sst s0;
	s0 =	simm.s32 @!p1 $0x0  }
0x14: {  	s2 =	sld [smem:$0x3F95];
	s0 =	simm.s32 @p1 $0x1  }
0x15: {  	[smem:$0x3FB2] =	sst s0;
	s0 =	simm.s32 @!p2 $0x0  }
0x16: {  	s3 =	sld [smem:$0x3FDB];
	s0 =	simm.s32 @p2 $0x1  }
0x17: {  	s4 =	simm.s32 $0x1BF5;
	[smem:$0x3FB4] =	sst s0  }
0x18: {  	s0 =	sld [smem:$0x3F97];
	_ =	swait.ge [sflag:s4], $0x0  }
0x19: {  	s7 =	sld [smem:$0x3F98]  }
0x1a: {  	s8 =	sadd.s32 $0xFFFFE003, lr  }
0x1b: {  	s9 =	sadd.s32 $0xFFFFFEF7, lr;
	s5 =	simm.s32 $0xFFFFFFFF;
	p2 =	slt.u32 s8, $0xFFFFF086  }
0x1c: {  	p1 =	slt.u32 s9, $0xF7A;
	s5 =	simm.s32 @!p2 $0x0  }
0x1d: {  	s5 =	simm.s32 @p1 $0x1;
	p0 =	seq.s32 s7, s2  }
0x1e: {  	s7 =	smul.u32 @!p0 $0xF7A, s2;
	p2 =	seq.s32 @!p0 s5, $0x0  }
0x1f: {  	s9 =	smul.u32 $0xF7A, s1;
	s8 =	simm.s32 @!p0 $0x1BF5;
	p2 =	por !p2, p0  }
0x20: {  	[sflag:s8] =	ssyncset.s32 @!p0 $0xFFFFF086;
	s6 =	sadd.s32 @!p0 s3, s7;
	s7 =	simm.s32 @!p0 $0x108  }
0x21: {  	s3 =	sadd.s32 s3, s9;
	s6 =	sadd.s32 @!p0 $0x88, s6;
	s7 =	simm.s32 @p2 $0x1082  }
0x22: {  	[simem:s7], [sflag:s8] =	dma.local @!p0 [hbm:s6], $0xF7A  }
0x23: {  	s9 =	sor.u32 $0xD0000000, s2;
	s6 =	simm.s32 $0x108;
	_ =	swait.ge @!p0 [sflag:s8], $0x0  }
0x24: {  	s3 =	sadd.s32 $0x88, s3;
	s6 =	simm.s32 @!p1 $0x1082;
	[sflag:s4] =	ssyncset.s32 $0xFFFFF086  }
0x25: {  	[simem:s6], [sflag:s4] =	dma.local [hbm:s3], $0xF7A  }
0x26: {  	[smem:$0x3F98] =	sst s1;
	(tag) =	ssettag s2;
	_ =	strace s9  }
0x27: {  	s1 =	sld [smem:$0x3FA8]  }
0x28: {  	s2 =	sld [smem:$0x3FA9]  }
0x29: {  	s4 =	sld [smem:$0x3FAB]  }
0x2a: {  	p0 =	seq.s32 s5, $0x0;
	s5 =	sld [smem:$0x3FAC]  }
0x2b: {  	s6 =	sld [smem:$0x3FAD]  }
0x2c: {  	s7 =	sld [smem:$0x3FAE]  }
0x2d: {  	s3 =	simm.s32 $0x108;
	s8 =	sld [smem:$0x3FAF]  }
0x2e: {  	s3 =	simm.s32 @!p0 $0x1082;
	s9 =	sld [smem:$0x3FB0]  }
0x2f: {  	lr =	sadd.s32 s0, s3;
	s0 =	sld [smem:$0x3FA7]  }
0x30: {  	s3 =	sld [smem:$0x3FAA]  }
0x31: {  	[smem:$0x3FB3] =	sst s10  }
0x32: {  	s10 =	sld [smem:$0x3FB1];
	_ =	sdelay $0x3  }
0x33: {  	p0 =	seq.s32 s10, $0x1;
	s10 =	sld [smem:$0x3FB3];
	_ =	sdelay $0x3  }
0x34: {  	[smem:$0x3FB3] =	sst s10  }
0x35: {  	s10 =	sld [smem:$0x3FB2];
	_ =	sdelay $0x3  }
0x36: {  	p1 =	seq.s32 s10, $0x1;
	s10 =	sld [smem:$0x3FB3];
	_ =	sdelay $0x3  }
0x37: {  	[smem:$0x3FB3] =	sst s10  }
0x38: {  	s10 =	sld [smem:$0x3FB4]  }
0x39: {  	_ = 	snop;
	(pc) =	sbr.ind lr, $3  }
0x3a: {  	_ = 	snop  }
0x3b: {  	_ = 	snop  }
0x3c: {  	p2 =	seq.s32 s10, $0x1;
	s10 =	sld [smem:$0x3FB3]  }
0x3d: {  	_ =	shalt  }
0x3e: {  	_ =	shalt  }
0x3f: {  	_ =	shalt  }
0x40: {  	_ =	shalt  }
0x41: {  	_ =	shalt  }
0x42: {  	_ =	shalt  }
0x43: {  	_ =	shalt  }
0x44: {  	_ =	shalt  }
0x45: {  	_ =	shalt  }
0x46: {  	_ =	shalt  }
0x47: {  	_ =	shalt  }
0x48: {  	_ =	shalt  }
0x49: {  	_ =	shalt  }
0x4a: {  	_ =	shalt  }
0x4b: {  	_ =	shalt  }
0x4c: {  	_ =	shalt  }
0x4d: {  	_ =	shalt  }
0x4e: {  	_ =	shalt  }
0x4f: {  	_ =	shalt  }
0x50: {  	_ =	shalt  }
0x51: {  	_ =	shalt  }
0x52: {  	_ =	shalt  }
0x53: {  	_ =	shalt  }
0x54: {  	_ =	shalt  }
0x55: {  	_ =	shalt  }
0x56: {  	_ =	shalt  }
0x57: {  	_ =	shalt  }
0x58: {  	_ =	shalt  }
0x59: {  	_ =	shalt  }
0x5a: {  	_ =	shalt  }
0x5b: {  	_ =	shalt  }
0x5c: {  	_ =	shalt  }
0x5d: {  	_ =	shalt  }
0x5e: {  	_ =	shalt  }
0x5f: {  	_ =	shalt  }
0x60: {  	_ =	shalt  }
0x61: {  	_ =	shalt  }
0x62: {  	_ =	shalt  }
0x63: {  	_ =	shalt  }
0x64: {  	_ =	shalt  }
0x65: {  	_ =	shalt  }
0x66: {  	_ =	shalt  }
0x67: {  	_ =	shalt  }
0x68: {  	_ =	shalt  }
0x69: {  	_ =	shalt  }
0x6a: {  	_ =	shalt  }
0x6b: {  	_ =	shalt  }
0x6c: {  	_ =	shalt  }
0x6d: {  	_ =	shalt  }
0x6e: {  	_ =	shalt  }
0x6f: {  	_ =	shalt  }
0x70: {  	_ =	shalt  }
0x71: {  	_ =	shalt  }
0x72: {  	_ =	shalt  }
0x73: {  	_ =	shalt  }
0x74: {  	_ =	shalt  }
0x75: {  	_ =	shalt  }
0x76: {  	_ =	shalt  }
0x77: {  	_ =	shalt  }
0x78: {  	_ =	shalt  }
0x79: {  	_ =	shalt  }
0x7a: {  	_ =	shalt  }
0x7b: {  	_ =	shalt  }
0x7c: {  	_ =	shalt  }
0x7d: {  	_ =	shalt  }
0x7e: {  	_ =	shalt  }
0x7f: {  	_ =	shalt  }
0x80: {  	_ =	shalt  }
0x81: {  	_ =	shalt  }
0x82: {  	_ =	shalt  }
0x83: {  	_ =	shalt  }
0x84: {  	_ =	shalt  }
0x85: {  	_ =	shalt  }
0x86: {  	_ =	shalt  }
0x87: {  	_ =	shalt  }
.Lfunc_end0:
.L_simem_size_0:
called_computation_lowered:
.L_overlay_start_0:
0x88: {  	s2 =	sld [smem:$0x3FD9]  }
0x89: {  	s3 =	sld [smem:$0x3FFE];
	_ =	sdelay $0x1  }
0x8a: {  	s1 =	srdreg.scid  }
0x8b: {  	s0 =	sand.u32 $0x1, s1  }
0x8c: {  	s17 =	sshll.u32 s0, $0xA;
	s2 =	sadd.s32 s3, s2  }
0x8d: {  	s2 =	sadd.s32 s2, s17  }
0x8e: {  	[smem:$0x3FBF] =	sst s2  }
0x8f: {  	_ = 	snop  }
0x90: {  	s2 =	sld [smem:$0x3FD0];
	(tm) =	ssettm $0x1  }
0x91: {  	s18 =	sld [smem:$0x3FFB];
	_ =	sdelay $0x3  }
0x92: {  	_ =	strace s18  }
0x93: {  	s3 =	sld [smem:$0x3FFC];
	_ =	sdelay $0x3  }
0x94: {  	_ =	strace s3  }
0x95: {  	s3 =	sld [smem:$0x3FFD];
	_ =	sdelay $0x3  }
0x96: {  	_ =	strace s3  }
0x97: {  	_ =	strace $0x8FFFFFFF  }
0x98: {  	s19 =	sld [smem:$0x3FDB];
	_ =	sdelay $0x1  }
0x99: {  	s4 =	simm.s32 $_scs_section_size  }
0x9a: {  	s5 =	simm.s32 $_size__tile_overlayer_lowered;
	s6 =	simm.s32 $_tile_overlayer_lowered  }
0x9b: {  	s22 =	simm.s32 $0x1BFF;
	s21 =	sshll.u32 s6, $0x1;
	s3 =	sadd.s32 s4, s19  }
0x9c: {  	s7 =	simm.s32 $0x0;
	s20 =	sshll.u32 s5, $0x1;
	s5 =	sadd.s32 s21, s3  }
0x9d: {  	[timem:s7], [sflag:s22] =	dma.local [hbm:s5], s20  }
0x9e: {  	_ =	swait.ge [sflag:s22], s20  }
0x9f: {  	s4 =	ssub.s32 $0x0, s20;
	[sflag:s22] =	ssyncset.done $0x0  }
0xa0: {  	[sflag:s22] =	ssyncadd.s32 s4;
	_ =	sdelay $0x1  }
0xa1: {  	s23 =	simm.s32 $0x1B8B  }
0xa2: {  	_ =	swait.ge [sflag:s23], $0x1  }
0xa3: {  	[sflag:s23] =	ssyncset.done $0x0  }
0xa4: {  	s25 =	simm.s32 $0x1B8E;
	s24 =	sld [smem:$0x3FFE];
	[sflag:s23] =	ssyncadd.s32 $0xFFFFFFFF  }
0xa5: {  	s26 =	simm.s32 $execute0_lowered;
	[smem:$0x3FD2] =	sst s25  }
0xa6: {  	s5 =	sshll.u32 s26, $0x1;
	_ =	strace $0x80000046;
	[dreg:$0x1] =	wrdreg $0xFFFFFFFF  }
0xa7: {  	s28 =	simm.s32 $_size_execute0_lowered;
	s3 =	sadd.s32 s3, s5;
	[dreg:$0x0] =	wrdreg $0x0  }
0xa8: {  	s5 =	sshll.u32 s28, $0x1;
	[dreg:$0x2] =	wrdreg s3  }
0xa9: {  	[dreg:$0x3] =	wrdreg s5  }
0xaa: {  	[dreg:$0x4] =	wrdreg $0xC0  }
0xab: {  	_ =	task [dreg:s7], $0x5FFFF  }
0xac: {  	[dreg:$0x1] =	wrdreg $0xFFFFFFFF  }
0xad: {  	[dreg:$0x0] =	wrdreg $0x60  }
0xae: {  	[dreg:$0x2] =	wrdreg s2  }
0xaf: {  	[dreg:$0x3] =	wrdreg s24  }
0xb0: {  	[dreg:$0x4] =	wrdreg $0x50000  }
0xb1: {  	[dreg:$0x5] =	wrdreg $0x9  }
0xb2: {  	_ =	task.clear_ibuf [dreg:s7], $0x6FFFF;
	_ =	strace $0x90000046  }
0xb3: {  	s29 =	simm.s32 $0x9;
	_ =	strace $0x80000048  }
0xb4: {  	_ =	swait.ge [sflag:s29], $0x1  }
0xb5: {  	[sflag:s29] =	ssyncadd.s32 $0xFFFFFFFF  }
0xb6: {  	_ =	strace $0x90000048  }
0xb7: {  	_ =	sfence  }
0xb8: {  	s30 =	sld [smem:$0x0];
	_ =	sdelay $0x2  }
0xb9: {  	s31 =	sshll.u32 s1, $0xD;
	s1 =	sshrl.u32 s1, $0x2  }
0xba: {  	s3 =	sand.u32 $0x4000, s31;
	s1 =	sadd.s32 s1, s30  }
0xbb: {  	s0 =	sor.u32 s3, s0;
	s1 =	sshll.u32 s1, $0x11  }
0xbc: {  	s0 =	sor.u32 s1, s0  }
0xbd: {  	s0 =	sadd.s32 $0x8F2B, s0  }
0xbe: {  	[sflag:s0] =	ssyncadd.remote.s32 $0x1  }
0xbf: {  	_ =	sfence.sel $0xFFFF  }
0xc0: {  	[dreg:$0x0] =	wrdreg $0xFFFFFFFF;
	(pc) =	sbr.abs _section_cstart, $3  }
0xc1: {  	[dreg:$0x1] =	wrdreg $0xFFFFFFFF  }
0xc2: {  	_ =	task.clear_ibuf [dreg:s7], $0x2FFFF;
	_ =	strace $0x9FFFFFFF  }
0xc3: {  	(tm) =	ssettm $0x7FFFFFFF  }
tec
execute0_lowered:
.L_overlay_start_1:
0x0: {  	(tag) =	ssettag $0x1  }
0x1: {  	s5 =	rddreg [dreg:$0x0]  }
0x2: {  	s4 =	rddreg [dreg:$0x1]  }
0x3: {  	s0 =	srdreg.scid;
	s2 =	rddreg [dreg:$0x2]  }
0x4: {  	s1 =	rddreg [dreg:$0x3];
	s3 =	simm.s32 $0x0;
	s17 =	simm.s32 $0x80  }
0x5: {  	s18 =	simm.s32 $0x400;
	s19 =	simm.s32 $0x1;
	s20 =	simm.s32 $0x3000  }
0x6: {  	s21 =	simm.s32 $0x2800;
	s6 =	sand.u32 $0x1, s0;
	s0 =	stileid.u32  }
0x7: {  	s23 =	simm.s32 $0x0;
	[smem:$0x7FF] =	sst s3;
	s7 =	smul.u32 $0x140000, s6  }
0x8: {  	s8 =	smul.u32 $0x14000, s0;
	s26 =	sshrl.u32 s0, $0x2;
	s9 =	sshll.u32 s0, $0x8  }
0x9: {  	s10 =	sshll.u32 s6, $0x7;
	s11 =	smul.u32 $0x50000, s0;
	_ =	strace $0x80000047  }
0xa: {  	s6 =	ssub.s32 $0x2, s6;
	s22 =	sshll.u32 s0, $0x6;
	s9 =	sand.u32 $0x300, s9  }
0xb: {  	s30 =	sshrl.u32 s6, $0x1;
	s7 =	sadd.s32 s8, s7;
	s8 =	smul.u32 $0x14000, s26  }
0xc: {  	s22 =	sor.u32 $0x1C01, s22;
	s28 =	sor.u32 s10, s9;
	s7 =	sshrl.u32 s7, $0x3  }
0xd: {  	s16 =	ssub.s32 s6, s30;
	s15 =	sadd.s32 s7, s4;
	s4 =	sor.u32 s8, s28  }
0xe: {  	s29 =	sshrl.u32 s11, $0x2;
	s16 =	smax.u32 s16, $0x1;
	s31 =	sshrl.u32 s4, $0x3  }
0xf: {  	s4 =	sadd.s32 s29, s2;
	s15 =	sadd.s32 $0x1A00, s15;
	s5 =	sadd.s32 s5, s31  }
0x10: {  	s6 =	sadd.s32 $0x2000, s4;
	s7 =	sadd.s32 $0x4000, s4;
	s8 =	sadd.s32 $0x6000, s4  }
0x11: {  	s9 =	sadd.s32 $0x8000, s4;
	s10 =	sadd.s32 $0xA000, s4;
	s11 =	sadd.s32 $0xC000, s4  }
0x12: {  	v0 =	vimm.f32 $1.000000000e+00;
	v1 =	vimm.f32 $0.0e+00;
	vm0 =	vmmov $0xffff;
	s12 =	sadd.s32 $0xE000, s4;
	s13 =	sadd.s32 $0x10000, s4;
	s14 =	sadd.s32 $0x12000, s4  }
.LBB2_1:
0x13: {  	[tilespmem:s3], [sflag:$0x1] =	stream.strided.gather [hbm4b:s5+s17], $0x2800, s18, s17, $0x38;
	[tilespmem:$0x19000] =	vst v63  }
0x14: {  	_ =	swait.ge [sflag:s19], $0x2800  }
0x15: {  	[sflag:s19] =	ssyncset.done $0x0  }
0x16: {  	s24 =	simm.s32 $0x0;
	s25 =	simm.s32 $0x200;
	[sflag:s19] =	ssyncadd.s32 $0xFFFFD800  }
.LBB2_2:
0x17: {  	p0 =	sne.s32 s25, $0x1E00;
	[tilespmem:s24+$0x2870] =	vst v0  }
0x18: {  	[tilespmem:s24+$0x2800] =	vst v0  }
0x19: {  	[tilespmem:s24+$0x2810] =	vst v0  }
.Ltmp0:
0x1a: {  	[tilespmem:s24+$0x2820] =	vst v0;
	(pc) =	sbr.rel @p0 .LBB2_2-.Ltmp0, $4  }
0x1b: {  	[tilespmem:s24+$0x2830] =	vst v0  }
0x1c: {  	[tilespmem:s24+$0x2840] =	vst v0  }
0x1d: {  	[tilespmem:s24+$0x2850] =	vst v0  }
0x1e: {  	[tilespmem:s24+$0x2860] =	vst v0;
	s24 =	sshra.s32 s25, $0x2;
	s25 =	sadd.s32 $0x200, s25  }
0x1f: {  	[tilespmem:s24+$0x2870] =	vst v0  }
0x20: {  	[tilespmem:s24+$0x2800] =	vst v0  }
0x21: {  	[tilespmem:s24+$0x2810] =	vst v0  }
0x22: {  	[tilespmem:s24+$0x2820] =	vst v0  }
0x23: {  	[tilespmem:s24+$0x2830] =	vst v0  }
0x24: {  	[tilespmem:s24+$0x2840] =	vst v0  }
0x25: {  	[tilespmem:s24+$0x2850] =	vst v0  }
0x26: {  	[tilespmem:s24+$0x2860] =	vst v0;
	s24 =	simm.s32 $0x0;
	s25 =	simm.s32 $0x200  }
.LBB2_4:
0x27: {  	p0 =	sne.s32 s25, $0x7E00;
	[tilespmem:s24+$0x3070] =	vst v1  }
0x28: {  	[tilespmem:s24+$0x3000] =	vst v1  }
0x29: {  	[tilespmem:s24+$0x3010] =	vst v1  }
.Ltmp1:
0x2a: {  	[tilespmem:s24+$0x3020] =	vst v1;
	(pc) =	sbr.rel @p0 .LBB2_4-.Ltmp1, $4  }
0x2b: {  	[tilespmem:s24+$0x3030] =	vst v1  }
0x2c: {  	[tilespmem:s24+$0x3040] =	vst v1  }
0x2d: {  	[tilespmem:s24+$0x3050] =	vst v1  }
0x2e: {  	[tilespmem:s24+$0x3060] =	vst v1;
	s24 =	sshra.s32 s25, $0x2;
	s25 =	sadd.s32 $0x200, s25  }
0x2f: {  	[tilespmem:s24+$0x3070] =	vst v1  }
0x30: {  	[tilespmem:s24+$0x3000] =	vst v1  }
0x31: {  	[tilespmem:s24+$0x3010] =	vst v1  }
0x32: {  	[tilespmem:s24+$0x3020] =	vst v1  }
0x33: {  	[tilespmem:s24+$0x3030] =	vst v1  }
0x34: {  	[tilespmem:s24+$0x3040] =	vst v1  }
0x35: {  	[tilespmem:s24+$0x3050] =	vst v1  }
0x36: {  	[tilespmem:s24+$0x3060] =	vst v1  }
0x37: {  	[spmem:s4] =	stream.linear.scatter [tilespmem:s20], [sflag:$0x1], $0x2000, $0x38;
	[tilespmem:$0x19000] =	vst v63  }
0x38: {  	_ =	swait.ge [sflag:s19], $0x2000  }
0x39: {  	[sflag:s19] =	ssyncset.done $0x0  }
0x3a: {  	[sflag:s19] =	ssyncadd.s32 $0xFFFFE000  }
0x3b: {  	[spmem:s6] =	stream.linear.scatter [tilespmem:s20], [sflag:$0x1], $0x2000, $0x38;
	[tilespmem:$0x19000] =	vst v63  }
0x3c: {  	_ =	swait.ge [sflag:s19], $0x2000  }
0x3d: {  	[sflag:s19] =	ssyncset.done $0x0  }
0x3e: {  	[sflag:s19] =	ssyncadd.s32 $0xFFFFE000  }
0x3f: {  	[spmem:s7] =	stream.linear.scatter [tilespmem:s20], [sflag:$0x1], $0x2000, $0x38;
	[tilespmem:$0x19000] =	vst v63  }
0x40: {  	_ =	swait.ge [sflag:s19], $0x2000  }
0x41: {  	[sflag:s19] =	ssyncset.done $0x0  }
0x42: {  	[sflag:s19] =	ssyncadd.s32 $0xFFFFE000  }
0x43: {  	[spmem:s8] =	stream.linear.scatter [tilespmem:s20], [sflag:$0x1], $0x2000, $0x38;
	[tilespmem:$0x19000] =	vst v63  }
0x44: {  	_ =	swait.ge [sflag:s19], $0x2000  }
0x45: {  	[sflag:s19] =	ssyncset.done $0x0  }
0x46: {  	[sflag:s19] =	ssyncadd.s32 $0xFFFFE000  }
0x47: {  	[spmem:s9] =	stream.linear.scatter [tilespmem:s20], [sflag:$0x1], $0x2000, $0x38;
	[tilespmem:$0x19000] =	vst v63  }
0x48: {  	_ =	swait.ge [sflag:s19], $0x2000  }
0x49: {  	[sflag:s19] =	ssyncset.done $0x0  }
0x4a: {  	[sflag:s19] =	ssyncadd.s32 $0xFFFFE000  }
0x4b: {  	[spmem:s10] =	stream.linear.scatter [tilespmem:s20], [sflag:$0x1], $0x2000, $0x38;
	[tilespmem:$0x19000] =	vst v63  }
0x4c: {  	_ =	swait.ge [sflag:s19], $0x2000  }
0x4d: {  	[sflag:s19] =	ssyncset.done $0x0  }
0x4e: {  	[sflag:s19] =	ssyncadd.s32 $0xFFFFE000  }
0x4f: {  	[spmem:s11] =	stream.linear.scatter [tilespmem:s20], [sflag:$0x1], $0x2000, $0x38;
	[tilespmem:$0x19000] =	vst v63  }
0x50: {  	_ =	swait.ge [sflag:s19], $0x2000  }
0x51: {  	[sflag:s19] =	ssyncset.done $0x0  }
0x52: {  	[sflag:s19] =	ssyncadd.s32 $0xFFFFE000  }
0x53: {  	[spmem:s12] =	stream.linear.scatter [tilespmem:s20], [sflag:$0x1], $0x2000, $0x38;
	[tilespmem:$0x19000] =	vst v63  }
0x54: {  	_ =	swait.ge [sflag:s19], $0x2000  }
0x55: {  	[sflag:s19] =	ssyncset.done $0x0  }
0x56: {  	[sflag:s19] =	ssyncadd.s32 $0xFFFFE000  }
0x57: {  	[spmem:s13] =	stream.linear.scatter [tilespmem:s20], [sflag:$0x1], $0x2000, $0x38;
	[tilespmem:$0x19000] =	vst v63  }
0x58: {  	_ =	swait.ge [sflag:s19], $0x2000  }
0x59: {  	[sflag:s19] =	ssyncset.done $0x0  }
0x5a: {  	[sflag:s19] =	ssyncadd.s32 $0xFFFFE000  }
0x5b: {  	[spmem:s14] =	stream.linear.scatter [tilespmem:s20], [sflag:$0x1], $0x2000, $0x38;
	[tilespmem:$0x19000] =	vst v63  }
0x5c: {  	_ =	swait.ge [sflag:s19], $0x2000  }
0x5d: {  	[sflag:s19] =	ssyncset.done $0x0  }
0x5e: {  	[sflag:s19] =	ssyncadd.s32 $0xFFFFE000  }
0x5f: {  	s31 =	simm.s32 $0x0;
	[bflag:$0x0] =	sbarrier.arrive $0xFFFF  }
0x60: {  	s24 =	simm.s32 $0x40;
	v2 =	vld [tilespmem:s31+$0x0]  }
.LBB2_6:
0x61: {  	p0 =	sne.s32 s24, $0x9FC0;
	_ =	sdelay $0x6  }
0x62: {  	[spmem:s2] =	stream.indirect_vreg.scatter.add.f32 [tilespmem:s21], [sflag:$0x1], $0x80, v2, vm0, $0xb8;
	[tilespmem:$0x19000] =	vst v63  }
.Ltmp2:
0x63: {  	_ = 	snop;
	(pc) =	sbr.rel @p0 .LBB2_6-.Ltmp2, $4  }
0x64: {  	_ =	swait.ge [sflag:s19], $0x800  }
0x65: {  	[sflag:s19] =	ssyncset.done $0x0  }
0x66: {  	s25 =	sshra.s32 s24, $0x2;
	[sflag:s19] =	ssyncadd.s32 $0xFFFFF800  }
0x67: {  	s24 =	sadd.s32 $0x40, s24;
	v2 =	vld [tilespmem:s25+$0x0]  }
0x68: {  	_ =	sdelay $0x7  }
0x69: {  	[spmem:s2] =	stream.indirect_vreg.scatter.add.f32 [tilespmem:s21], [sflag:$0x1], $0x80, v2, vm0, $0xb8;
	[tilespmem:$0x19000] =	vst v63  }
0x6a: {  	_ =	swait.ge [sflag:s19], $0x800  }
0x6b: {  	s23 =	sadd.s32 $0x1, s23;
	[sflag:s19] =	ssyncset.done $0x0  }
0x6c: {  	p0 =	sne.s32 s23, s16;
	[sflag:s19] =	ssyncadd.s32 $0xFFFFF800  }
.Ltmp3:
0x6d: {  	s24 =	sshrl.u32 s4, $0x3;
	[bflag:$0x0] =	sbarrier.arrive $0xFFFF;
	(pc) =	sbr.rel @p0 .LBB2_1-.Ltmp3, $4  }
0x6e: {  	[hbm:s15], [sflag:s22] =	dma.local [spmem:s24], $0x2800  }
0x6f: {  	_ =	swait.ge [sflag:s19], $0x2800  }
0x70: {  	[sflag:s19] =	ssyncset.done $0x0  }
0x71: {  	[sflag:s19] =	ssyncadd.s32 $0xFFFFD800  }
0x72: {  	_ =	sfence.sel $0x180000  }
0x73: {  	[bflag:$0x0] =	sbarrier.arrive $0xFFFF  }
0x74: {  	p0 =	sne.s32 s0, $0x0;
	_ =	strace $0x90000047  }
0x75: {  	s0 =	sadd.s32 @!p0 $0x100000, s1;
	[bflag:$0x2] =	sbarrier.arrive $0xFFFF  }
0x76: {  	[sflag:s0] =	ssyncadd.tile.s32 @!p0 $0x1;
	_ =	shalt  }
.Lfunc_end2:
_tile_overlayer_lowered:
.L_overlay_start_2:
0x77: {  	(tag) =	ssettag $0x2  }
0x78: {  	s0 =	rddreg [dreg:$0x0];
	s2 =	stileid.u32  }
0x79: {  	s1 =	rddreg [dreg:$0x1];
	p0 =	sne.s32 s2, $0x0  }
0x7a: {  	s3 =	rddreg [dreg:$0x2];
	[bflag:$0x3] =	sbarrier.arrive $0xFFFF;
	s2 =	simm.s32 @!p0 $0x1C01  }
0x7b: {  	[timem:s3], [sflag:s2] =	dma.local @!p0 [hbm:s0], s1  }
0x7c: {  	s0 =	simm.s32 @!p0 $0x1  }
0x7d: {  	_ =	swait.ge @!p0 [sflag:s0], s1  }
0x7e: {  	s1 =	ssub.s32 @!p0 $0x0, s1;
	[sflag:s0] =	ssyncset.done @!p0 $0x0  }
0x7f: {  	[sflag:s0] =	ssyncadd.s32 @!p0 s1  }
0x80: {  	[bflag:$0x3] =	sbarrier.arrive $0xFFFF  }
0x81: {  	_ =	shalt  }

</sc_bundles>
